<compile_context>
chip_gen: v7x
topology: tpu7x:2x2x1
jax: 0.10.2.dev20260603
libtpu: 0.0.44.dev20260713+nightly
codegen_flags: <defaults>
</compile_context>

<pallas_src>
import functools

import jax
import jax.numpy as jnp
from jax import lax
from jax.experimental import pallas as pl
from jax.experimental.pallas import tpu as pltpu
from jax.experimental.pallas import tpu_sc as plsc

Q_MAX = 127.0
QUANTILE = 0.99
GAMMA_MIN = 0.1
GAMMA_MAX = 10.0

NC = 2
NS = 16
L = 16
NW = NC * NS
NBUCKET = 65536
CHUNK = 8192


RB = 8


def _sc_hist(x_bits, b16):
    a_dim, m_dim, w_dim = x_bits.shape
    rb_per_a = m_dim // RB
    n_chunks = a_dim * rb_per_a // NW
    assert m_dim % RB == 0 and (a_dim * rb_per_a) % NW == 0
    assert n_chunks % 2 == 0
    nvec = RB * w_dim // L
    pass2 = b16 is not None
    mesh = plsc.VectorSubcoreMesh(core_axis_name="c", subcore_axis_name="s")

    hist_shape = (512, 128)
    scratch = [
        pltpu.VMEM(hist_shape, jnp.int32),
        pltpu.VMEM((RB, w_dim), jnp.float32),
        pltpu.VMEM((RB, w_dim), jnp.float32),
        pltpu.SemaphoreType.DMA,
        pltpu.SemaphoreType.DMA,
    ]
    if pass2:
        scratch.append(pltpu.VMEM((L,), jnp.int32))

    def body(*refs):
        if pass2:
            x_hbm, b_hbm, out_hbm, hist, buf0, buf1, sem0, sem1, bvec = refs
        else:
            x_hbm, out_hbm, hist, buf0, buf1, sem0, sem1 = refs
        bufs = (buf0, buf1)
        sems = (sem0, sem1)
        wid = lax.axis_index("s") * NC + lax.axis_index("c")
        base = wid * n_chunks

        rb_shift = rb_per_a.bit_length() - 1
        assert rb_per_a == 1 << rb_shift

        def start_dma(unit, j):
            a = lax.shift_right_logical(unit, rb_shift)
            rb = unit & (rb_per_a - 1)
            pltpu.make_async_copy(
                x_hbm.at[a, pl.ds(rb * RB, RB), :], bufs[j], sems[j]
            ).start()

        zeros = jnp.zeros((L,), jnp.int32)

        @plsc.parallel_loop(0, 512, unroll=4)
        def _zero(r):
            for c in range(8):
                hist[r, pl.ds(c * L, L)] = zeros

        if pass2:
            pltpu.sync_copy(b_hbm, bvec)
            bsplat16 = bvec[...] << 16

        ones = jnp.ones((L,), jnp.int32)

        for j in range(2):
            start_dma(base + j, j)

        wpl = w_dim // L
        wpl_shift = wpl.bit_length() - 1
        assert wpl == 1 << wpl_shift

        @pl.loop(0, n_chunks, step=2)
        def _outer(g):
            for j in range(2):
                gg = g + j
                pltpu.make_async_copy(
                    x_hbm.at[0, pl.ds(0, RB), :], bufs[j], sems[j]
                ).wait()

                @plsc.parallel_loop(0, nvec, unroll=16)
                def _inner(i):
                    r = lax.shift_right_logical(i, wpl_shift)
                    c = (i & (wpl - 1)) * L
                    bits = plsc.bitcast(bufs[j][r, pl.ds(c, L)], jnp.int32)
                    if pass2:
                        hi16 = bits & 0x7FFF0000
                        row = lax.shift_right_logical(bits, 7) & 0x1FF
                        col = bits & 127
                        plsc.addupdate_scatter(
                            hist, [row, col], ones, mask=(hi16 == bsplat16)
                        )
                    else:
                        row = lax.shift_right_logical(bits, 23) & 0xFF
                        col = lax.shift_right_logical(bits, 16) & 127
                        plsc.addupdate_scatter(hist, [row, col], ones)

                @pl.when(gg + 2 < n_chunks)
                def _next():
                    start_dma(base + gg + 2, j)

        pltpu.sync_copy(hist, out_hbm.at[wid])

    kern = pl.kernel(
        body,
        out_type=jax.ShapeDtypeStruct((NW,) + hist_shape, jnp.int32),
        mesh=mesh,
        scratch_types=scratch,
        compiler_params=pltpu.CompilerParams(
            needs_layout_passes=False, use_tc_tiling_on_sc=True
        ),
    )
    if pass2:
        return kern(x_bits, b16)
    return kern(x_bits)


def _cumulative(s):
    rows = s.shape[0]
    c = s
    sh = 1
    while sh < 128:
        c = c + jnp.concatenate(
            [jnp.zeros((rows, sh), jnp.int32), c[:, :-sh]], axis=1
        )
        sh *= 2
    rt = c[:, 127:128]
    e = rt
    sh = 1
    while sh < rows:
        e = e + jnp.concatenate(
            [jnp.zeros((sh, 1), jnp.int32), e[:-sh, :]], axis=0
        )
        sh *= 2
    return (e - rt) + c


def _tc_reduce1(h1, k):
    def body(h_ref, b_ref, r_ref):
        cum = _cumulative(jnp.sum(h_ref[...], axis=0))
        mask = cum <= k
        b = jnp.sum(mask.astype(jnp.int32))
        cum_before = jnp.max(jnp.where(mask, cum, 0))
        b_ref[...] = jnp.full((1, L), b, jnp.int32)
        r_ref[...] = jnp.full((1, 1), k - cum_before, jnp.int32)

    return pl.pallas_call(
        body,
        out_shape=(
            jax.ShapeDtypeStruct((1, L), jnp.int32),
            jax.ShapeDtypeStruct((1, 1), jnp.int32),
        ),
    )(h1)


def _tc_quantize(x3d, h2, b2d, r2d, g2d):
    a, m, w = x3d.shape
    bm = 512

    def body(b_ref, r_ref, g_ref, h_ref, x_ref, o_ref, sc_ref):
        @pl.when((pl.program_id(0) == 0) & (pl.program_id(1) == 0))
        def _scale():
            cum = _cumulative(jnp.sum(h_ref[...], axis=0))
            r = r_ref[0, 0]
            low = jnp.sum((cum <= r).astype(jnp.int32))
            qbits = (b_ref[0, 0] << 16) | low
            q = lax.bitcast_convert_type(qbits, jnp.float32)
            gc = jnp.clip(g_ref[0, 0], GAMMA_MIN, GAMMA_MAX)
            s = q * gc / Q_MAX
            sc_ref[0] = s
            sc_ref[1] = 1.0 / s

        s = sc_ref[0]
        si = sc_ref[1]
        q = jnp.clip(jnp.round(x_ref[...] * si), -Q_MAX, Q_MAX)
        o_ref[...] = q * s

    return pl.pallas_call(
        body,
        grid=(a, m // bm),
        in_specs=[
            pl.BlockSpec(memory_space=pltpu.SMEM),
            pl.BlockSpec(memory_space=pltpu.SMEM),
            pl.BlockSpec(memory_space=pltpu.SMEM),
            pl.BlockSpec(h2.shape, lambda i, j: (0, 0, 0)),
            pl.BlockSpec((1, bm, w), lambda i, j: (i, j, 0)),
        ],
        out_specs=pl.BlockSpec((1, bm, w), lambda i, j: (i, j, 0)),
        out_shape=jax.ShapeDtypeStruct((a, m, w), jnp.float32),
        scratch_shapes=[pltpu.SMEM((2,), jnp.float32)],
    )(b2d, r2d, g2d, h2, x3d)


def kernel(x, gamma):
    n = x.size
    k = round(QUANTILE * n)
    h1 = _sc_hist(x, None)
    b2d, r2d = _tc_reduce1(h1, k)
    h2 = _sc_hist(x, b2d.reshape(L))
    return _tc_quantize(x, h2, b2d, r2d, gamma.reshape(1, 1))

# --- scband reference (transcript-rebuilt; emitter-appended) ---
"""Pipeline reference for scband-act-quantizer-39857296507477 (READ-ONLY COPY).

The authoritative reference and input builder live on the scoring server;
editing this copy changes nothing except your own understanding.
"""

import jax, jax.numpy as jnp
import numpy as np

N_BITS = 8
Q_MAX = float(2 ** (N_BITS - 1) - 1)  # 127.0
QUANTILE = 0.99
GAMMA_MIN = 0.1
GAMMA_MAX = 10.0


def setup_inputs(seed: int = 0) -> dict:
    key = jax.random.key(seed)
    k1, k2 = jax.random.split(key)
    x = jax.random.normal(k1, (4, 2048, 2048), dtype=jnp.float32)
    gamma = jnp.ones((1,), dtype=jnp.float32)  # learnable gamma parameter
    return {"x": x, "gamma": gamma}


def reference(x, gamma):
    # get_q_quantile: k-th order statistic of |x| via full sort (matches quantile_fp32)
    # computed under no_grad in torch -> stop_gradient here
    k = round(QUANTILE * x.size)  # static python int
    x_sorted = jnp.sort(jnp.abs(x.ravel()))
    q_quantile = jax.lax.stop_gradient(x_sorted[k])
    # gamma.data.clamp_(min=gamma_min, max=gamma_max)
    gamma_c = jnp.clip(gamma, GAMMA_MIN, GAMMA_MAX)
    # scale = q_quantile * gamma / q_max
    scale = q_quantile * gamma_c / Q_MAX  # shape (1,)
    # omniquant fake-quantization: round-to-nearest with straight-through estimator,
    # clamp to signed int range, dequantize
    inv = x / scale
    xq = inv + jax.lax.stop_gradient(jnp.round(inv) - inv)  # round STE
    xq = jnp.clip(xq, -Q_MAX, Q_MAX)
    out = xq * scale
    return out

if __name__ == "__main__":
    import jax
    _d = setup_inputs()
    print(jax.jit(kernel)(*tuple(_d.values())))

</pallas_src>

<mosaic_0001>
#map = affine_map<(d0, d1) -> (0, 0, 0)>
module attributes {stable_mosaic.version = 14 : i64} {
  func.func @body(%arg0: i32, %arg1: i32, %arg2: memref<4x2048x2048xf32, #tpu.memory_space<hbm>>, %arg3: memref<32x512x128xi32, #tpu.memory_space<hbm>>, %arg4: memref<512x128xi32, #tpu.memory_space<vmem>>, %arg5: memref<8x2048xf32, #tpu.memory_space<vmem>>, %arg6: memref<8x2048xf32, #tpu.memory_space<vmem>>, %arg7: memref<!tpu.dma_semaphore, #tpu.memory_space<semaphore_mem>>, %arg8: memref<!tpu.dma_semaphore, #tpu.memory_space<semaphore_mem>>) attributes {dimension_semantics = [#tpu.dimension_semantics<core_parallel>, #tpu.dimension_semantics<subcore_parallel>], iteration_bounds = array<i64: 2, 16>, scalar_prefetch = 0 : i64, scratch_operands = 5 : i64, tpu.core_type = #tpu.core_type<sc_vector_subcore>, window_params = [{transform_indices = #map}, {transform_indices = #map}]} {
    %mul3A = arith.constant 2 : i32
    %mul3A_0 = arith.muli %arg1, %mul3A : i32
    %add3A = arith.addi %mul3A_0, %arg0 : i32
    %mul3A_1 = arith.constant 32 : i32
    %mul3A_2 = arith.muli %add3A, %mul3A_1 : i32
    %broadcast_in_dim3A = arith.constant 0 : i32
    %broadcast_in_dim3A_3 = vector.broadcast %broadcast_in_dim3A : i32 to vector<16xi32>
    %parallel_loop3A = arith.constant 0 : i32
    %parallel_loop3A_4 = arith.constant 512 : i32
    %parallel_loop3A_5 = arith.constant 1 : i32
    scf.for %parallel_loop3A_37 = %parallel_loop3A to %parallel_loop3A_4 step %parallel_loop3A_5  : i32 {
      %parallel_loop3A_38 = arith.index_cast %parallel_loop3A_37 : i32 to index
      %parallel_loop3A_39 = arith.constant 0 : index
      %parallel_loop3A_40 = tpu.vector_load %arg4[%parallel_loop3A_38, %parallel_loop3A_39] {strides = array<i32>} : memref<512x128xi32, #tpu.memory_space<vmem>>, vector<16xi32>,
      tpu.vector_store %arg4[%parallel_loop3A_38, %parallel_loop3A_39], %broadcast_in_dim3A_3 {strides = array<i32>} : memref<512x128xi32, #tpu.memory_space<vmem>>, vector<16xi32>,
      %parallel_loop3A_41 = arith.index_cast %parallel_loop3A_37 : i32 to index
      %parallel_loop3A_42 = arith.constant 16 : index
      %parallel_loop3A_43 = tpu.vector_load %arg4[%parallel_loop3A_41, %parallel_loop3A_42] {strides = array<i32>} : memref<512x128xi32, #tpu.memory_space<vmem>>, vector<16xi32>,
      tpu.vector_store %arg4[%parallel_loop3A_41, %parallel_loop3A_42], %broadcast_in_dim3A_3 {strides = array<i32>} : memref<512x128xi32, #tpu.memory_space<vmem>>, vector<16xi32>,
      %parallel_loop3A_44 = arith.index_cast %parallel_loop3A_37 : i32 to index
      %parallel_loop3A_45 = arith.constant 32 : index
      %parallel_loop3A_46 = tpu.vector_load %arg4[%parallel_loop3A_44, %parallel_loop3A_45] {strides = array<i32>} : memref<512x128xi32, #tpu.memory_space<vmem>>, vector<16xi32>,
      tpu.vector_store %arg4[%parallel_loop3A_44, %parallel_loop3A_45], %broadcast_in_dim3A_3 {strides = array<i32>} : memref<512x128xi32, #tpu.memory_space<vmem>>, vector<16xi32>,
      %parallel_loop3A_47 = arith.index_cast %parallel_loop3A_37 : i32 to index
      %parallel_loop3A_48 = arith.constant 48 : index
      %parallel_loop3A_49 = tpu.vector_load %arg4[%parallel_loop3A_47, %parallel_loop3A_48] {strides = array<i32>} : memref<512x128xi32, #tpu.memory_space<vmem>>, vector<16xi32>,
      tpu.vector_store %arg4[%parallel_loop3A_47, %parallel_loop3A_48], %broadcast_in_dim3A_3 {strides = array<i32>} : memref<512x128xi32, #tpu.memory_space<vmem>>, vector<16xi32>,
      %parallel_loop3A_50 = arith.index_cast %parallel_loop3A_37 : i32 to index
      %parallel_loop3A_51 = arith.constant 64 : index
      %parallel_loop3A_52 = tpu.vector_load %arg4[%parallel_loop3A_50, %parallel_loop3A_51] {strides = array<i32>} : memref<512x128xi32, #tpu.memory_space<vmem>>, vector<16xi32>,
      tpu.vector_store %arg4[%parallel_loop3A_50, %parallel_loop3A_51], %broadcast_in_dim3A_3 {strides = array<i32>} : memref<512x128xi32, #tpu.memory_space<vmem>>, vector<16xi32>,
      %parallel_loop3A_53 = arith.index_cast %parallel_loop3A_37 : i32 to index
      %parallel_loop3A_54 = arith.constant 80 : index
      %parallel_loop3A_55 = tpu.vector_load %arg4[%parallel_loop3A_53, %parallel_loop3A_54] {strides = array<i32>} : memref<512x128xi32, #tpu.memory_space<vmem>>, vector<16xi32>,
      tpu.vector_store %arg4[%parallel_loop3A_53, %parallel_loop3A_54], %broadcast_in_dim3A_3 {strides = array<i32>} : memref<512x128xi32, #tpu.memory_space<vmem>>, vector<16xi32>,
      %parallel_loop3A_56 = arith.index_cast %parallel_loop3A_37 : i32 to index
      %parallel_loop3A_57 = arith.constant 96 : index
      %parallel_loop3A_58 = tpu.vector_load %arg4[%parallel_loop3A_56, %parallel_loop3A_57] {strides = array<i32>} : memref<512x128xi32, #tpu.memory_space<vmem>>, vector<16xi32>,
      tpu.vector_store %arg4[%parallel_loop3A_56, %parallel_loop3A_57], %broadcast_in_dim3A_3 {strides = array<i32>} : memref<512x128xi32, #tpu.memory_space<vmem>>, vector<16xi32>,
      %parallel_loop3A_59 = arith.index_cast %parallel_loop3A_37 : i32 to index
      %parallel_loop3A_60 = arith.constant 112 : index
      %parallel_loop3A_61 = tpu.vector_load %arg4[%parallel_loop3A_59, %parallel_loop3A_60] {strides = array<i32>} : memref<512x128xi32, #tpu.memory_space<vmem>>, vector<16xi32>,
      tpu.vector_store %arg4[%parallel_loop3A_59, %parallel_loop3A_60], %broadcast_in_dim3A_3 {strides = array<i32>} : memref<512x128xi32, #tpu.memory_space<vmem>>, vector<16xi32>,
    } {sc.loop_unroll_factor = 4 : i64, sc.parallel_access}
    %broadcast_in_dim3A_6 = arith.constant 1 : i32
    %broadcast_in_dim3A_7 = vector.broadcast %broadcast_in_dim3A_6 : i32 to vector<16xi32>
    %add3A_8 = arith.constant 0 : i32
    %add3A_9 = arith.addi %mul3A_2, %add3A_8 : i32
    %shift_right_logical3A = arith.constant 8 : i32
    %shift_right_logical3A_10 = arith.shrui %add3A_9, %shift_right_logical3A : i32
    %and3A = arith.constant 255 : i32
    %and3A_11 = arith.andi %add3A_9, %and3A : i32
    %mul3A_12 = arith.constant 8 : i32
    %mul3A_13 = arith.muli %and3A_11, %mul3A_12 : i32
    %dma_start3A = arith.constant 0 : i32
    %dma_start3A_14 = tpu.memref_slice %arg2[%shift_right_logical3A_10, %mul3A_13, %dma_start3A] : memref<4x2048x2048xf32, #tpu.memory_space<hbm>> -> memref<1x8x2048xf32, #tpu.memory_space<hbm>>
    %dma_start3A_15 = tpu.memref_squeeze %dma_start3A_14 : memref<1x8x2048xf32, #tpu.memory_space<hbm>> -> memref<8x2048xf32, #tpu.memory_space<hbm>>
    %dma_start3A_16 = arith.constant 0 : i32
    %dma_start3A_17 = tpu.memref_slice %arg2[%shift_right_logical3A_10, %mul3A_13, %dma_start3A_16] : memref<4x2048x2048xf32, #tpu.memory_space<hbm>> -> memref<1x8x2048xf32, #tpu.memory_space<hbm>>
    %dma_start3A_18 = tpu.memref_squeeze %dma_start3A_17 : memref<1x8x2048xf32, #tpu.memory_space<hbm>> -> memref<8x2048xf32, #tpu.memory_space<hbm>>
    tpu.enqueue_dma source(%dma_start3A_18 : memref<8x2048xf32, #tpu.memory_space<hbm>>) target(%arg5 : memref<8x2048xf32, #tpu.memory_space<vmem>>) target_semaphore(%arg7 : memref<!tpu.dma_semaphore, #tpu.memory_space<semaphore_mem>>)
    %add3A_19 = arith.constant 1 : i32
    %add3A_20 = arith.addi %mul3A_2, %add3A_19 : i32
    %shift_right_logical3A_21 = arith.constant 8 : i32
    %shift_right_logical3A_22 = arith.shrui %add3A_20, %shift_right_logical3A_21 : i32
    %and3A_23 = arith.constant 255 : i32
    %and3A_24 = arith.andi %add3A_20, %and3A_23 : i32
    %mul3A_25 = arith.constant 8 : i32
    %mul3A_26 = arith.muli %and3A_24, %mul3A_25 : i32
    %dma_start3A_27 = arith.constant 0 : i32
    %dma_start3A_28 = tpu.memref_slice %arg2[%shift_right_logical3A_22, %mul3A_26, %dma_start3A_27] : memref<4x2048x2048xf32, #tpu.memory_space<hbm>> -> memref<1x8x2048xf32, #tpu.memory_space<hbm>>
    %dma_start3A_29 = tpu.memref_squeeze %dma_start3A_28 : memref<1x8x2048xf32, #tpu.memory_space<hbm>> -> memref<8x2048xf32, #tpu.memory_space<hbm>>
    %dma_start3A_30 = arith.constant 0 : i32
    %dma_start3A_31 = tpu.memref_slice %arg2[%shift_right_logical3A_22, %mul3A_26, %dma_start3A_30] : memref<4x2048x2048xf32, #tpu.memory_space<hbm>> -> memref<1x8x2048xf32, #tpu.memory_space<hbm>>
    %dma_start3A_32 = tpu.memref_squeeze %dma_start3A_31 : memref<1x8x2048xf32, #tpu.memory_space<hbm>> -> memref<8x2048xf32, #tpu.memory_space<hbm>>
    tpu.enqueue_dma source(%dma_start3A_32 : memref<8x2048xf32, #tpu.memory_space<hbm>>) target(%arg6 : memref<8x2048xf32, #tpu.memory_space<vmem>>) target_semaphore(%arg8 : memref<!tpu.dma_semaphore, #tpu.memory_space<semaphore_mem>>)
    %scan3A = arith.constant 0 : i32
    %scan3A_33 = arith.constant 16 : i32
    %scan3A_34 = arith.addi %scan3A, %scan3A_33 : i32
    %scan3A_35 = arith.constant 1 : i32
    scf.for %scan3A_37 = %scan3A to %scan3A_34 step %scan3A_35  : i32 {
      %mul3A_38 = arith.constant 2 : i32
      %mul3A_39 = arith.muli %scan3A_37, %mul3A_38 : i32
      %add3A_40 = arith.constant 0 : i32
      %add3A_41 = arith.addi %add3A_40, %mul3A_39 : i32
      %add3A_42 = arith.constant 0 : i32
      %add3A_43 = arith.addi %add3A_41, %add3A_42 : i32
      %dma_wait3A = arith.constant 0 : i32
      %dma_wait3A_44 = arith.constant 0 : i32
      %dma_wait3A_45 = arith.constant 0 : i32
      %dma_wait3A_46 = tpu.memref_slice %arg2[%dma_wait3A, %dma_wait3A_44, %dma_wait3A_45] : memref<4x2048x2048xf32, #tpu.memory_space<hbm>> -> memref<1x8x2048xf32, #tpu.memory_space<hbm>>
      %dma_wait3A_47 = tpu.memref_squeeze %dma_wait3A_46 : memref<1x8x2048xf32, #tpu.memory_space<hbm>> -> memref<8x2048xf32, #tpu.memory_space<hbm>>
      %dma_wait3A_48 = arith.constant 0 : i32
      %dma_wait3A_49 = arith.constant 0 : i32
      %dma_wait3A_50 = tpu.memref_slice %arg2[%dma_wait3A, %dma_wait3A_48, %dma_wait3A_49] : memref<4x2048x2048xf32, #tpu.memory_space<hbm>> -> memref<1x8x2048xf32, #tpu.memory_space<hbm>>
      %dma_wait3A_51 = tpu.memref_squeeze %dma_wait3A_50 : memref<1x8x2048xf32, #tpu.memory_space<hbm>> -> memref<8x2048xf32, #tpu.memory_space<hbm>>
      tpu.wait_dma2 semaphore(%arg7 : memref<!tpu.dma_semaphore, #tpu.memory_space<semaphore_mem>>) src(%dma_wait3A_51 : memref<8x2048xf32, #tpu.memory_space<hbm>>) dst(%arg5 : memref<8x2048xf32, #tpu.memory_space<vmem>>)
      %parallel_loop3A_52 = arith.constant 0 : i32
      %parallel_loop3A_53 = arith.constant 1024 : i32
      %parallel_loop3A_54 = arith.constant 1 : i32
      scf.for %parallel_loop3A_80 = %parallel_loop3A_52 to %parallel_loop3A_53 step %parallel_loop3A_54  : i32 {
        %parallel_loop3A_81 = arith.constant 7 : i32
        %parallel_loop3A_82 = arith.shrui %parallel_loop3A_80, %parallel_loop3A_81 : i32
        %parallel_loop3A_83 = arith.constant 127 : i32
        %parallel_loop3A_84 = arith.andi %parallel_loop3A_80, %parallel_loop3A_83 : i32
        %parallel_loop3A_85 = arith.constant 16 : i32
        %parallel_loop3A_86 = arith.muli %parallel_loop3A_84, %parallel_loop3A_85 : i32
        %parallel_loop3A_87 = arith.index_cast %parallel_loop3A_82 : i32 to index
        %parallel_loop3A_88 = arith.index_cast %parallel_loop3A_86 : i32 to index
        %parallel_loop3A_89 = tpu.vector_load %arg5[%parallel_loop3A_87, %parallel_loop3A_88] {strides = array<i32>} : memref<8x2048xf32, #tpu.memory_space<vmem>>, vector<16xf32>,
        %parallel_loop3A_90 = vector.bitcast %parallel_loop3A_89 : vector<16xf32> to vector<16xi32>
        %parallel_loop3A_91 = arith.constant 23 : i32
        %parallel_loop3A_92 = vector.broadcast %parallel_loop3A_91 : i32 to vector<16xi32>
        %parallel_loop3A_93 = arith.shrui %parallel_loop3A_90, %parallel_loop3A_92 : vector<16xi32>
        %parallel_loop3A_94 = arith.constant 255 : i32
        %parallel_loop3A_95 = vector.broadcast %parallel_loop3A_94 : i32 to vector<16xi32>
        %parallel_loop3A_96 = arith.andi %parallel_loop3A_93, %parallel_loop3A_95 : vector<16xi32>
        %parallel_loop3A_97 = arith.constant 16 : i32
        %parallel_loop3A_98 = vector.broadcast %parallel_loop3A_97 : i32 to vector<16xi32>
        %parallel_loop3A_99 = arith.shrui %parallel_loop3A_90, %parallel_loop3A_98 : vector<16xi32>
        %parallel_loop3A_100 = arith.constant 127 : i32
        %parallel_loop3A_101 = vector.broadcast %parallel_loop3A_100 : i32 to vector<16xi32>
        %parallel_loop3A_102 = arith.andi %parallel_loop3A_99, %parallel_loop3A_101 : vector<16xi32>
        tpu.vector_store_idx %arg4[%parallel_loop3A_96, %parallel_loop3A_102], %broadcast_in_dim3A_7 {add = true} : memref<512x128xi32, #tpu.memory_space<vmem>>[vector<16xi32>, vector<16xi32>], vector<16xi32>,
      } {sc.loop_unroll_factor = 16 : i64, sc.parallel_access}
      %add3A_55 = arith.constant 2 : i32
      %add3A_56 = arith.addi %add3A_43, %add3A_55 : i32
      %lt3A = arith.constant 32 : i32
      %lt3A_57 = arith.cmpi slt, %add3A_56, %lt3A : i32
      %convert_element_type3A = arith.extui %lt3A_57 : i1 to i32
      %cond3A = arith.constant 0 : i32
      %cond3A_58 = arith.cmpi ne, %convert_element_type3A, %cond3A : i32
      scf.if %cond3A_58 {
        %add3A_80 = arith.addi %mul3A_2, %add3A_43 : i32
        %add3A_81 = arith.constant 2 : i32
        %add3A_82 = arith.addi %add3A_80, %add3A_81 : i32
        %shift_right_logical3A_83 = arith.constant 8 : i32
        %shift_right_logical3A_84 = arith.shrui %add3A_82, %shift_right_logical3A_83 : i32
        %and3A_85 = arith.constant 255 : i32
        %and3A_86 = arith.andi %add3A_82, %and3A_85 : i32
        %mul3A_87 = arith.constant 8 : i32
        %mul3A_88 = arith.muli %and3A_86, %mul3A_87 : i32
        %dma_start3A_89 = arith.constant 0 : i32
        %dma_start3A_90 = tpu.memref_slice %arg2[%shift_right_logical3A_84, %mul3A_88, %dma_start3A_89] : memref<4x2048x2048xf32, #tpu.memory_space<hbm>> -> memref<1x8x2048xf32, #tpu.memory_space<hbm>>
        %dma_start3A_91 = tpu.memref_squeeze %dma_start3A_90 : memref<1x8x2048xf32, #tpu.memory_space<hbm>> -> memref<8x2048xf32, #tpu.memory_space<hbm>>
        %dma_start3A_92 = arith.constant 0 : i32
        %dma_start3A_93 = tpu.memref_slice %arg2[%shift_right_logical3A_84, %mul3A_88, %dma_start3A_92] : memref<4x2048x2048xf32, #tpu.memory_space<hbm>> -> memref<1x8x2048xf32, #tpu.memory_space<hbm>>
        %dma_start3A_94 = tpu.memref_squeeze %dma_start3A_93 : memref<1x8x2048xf32, #tpu.memory_space<hbm>> -> memref<8x2048xf32, #tpu.memory_space<hbm>>
        tpu.enqueue_dma source(%dma_start3A_94 : memref<8x2048xf32, #tpu.memory_space<hbm>>) target(%arg5 : memref<8x2048xf32, #tpu.memory_space<vmem>>) target_semaphore(%arg7 : memref<!tpu.dma_semaphore, #tpu.memory_space<semaphore_mem>>)
      } else {
      }
      %add3A_59 = arith.constant 1 : i32
      %add3A_60 = arith.addi %add3A_41, %add3A_59 : i32
      %dma_wait3A_61 = arith.constant 0 : i32
      %dma_wait3A_62 = arith.constant 0 : i32
      %dma_wait3A_63 = arith.constant 0 : i32
      %dma_wait3A_64 = tpu.memref_slice %arg2[%dma_wait3A_61, %dma_wait3A_62, %dma_wait3A_63] : memref<4x2048x2048xf32, #tpu.memory_space<hbm>> -> memref<1x8x2048xf32, #tpu.memory_space<hbm>>
      %dma_wait3A_65 = tpu.memref_squeeze %dma_wait3A_64 : memref<1x8x2048xf32, #tpu.memory_space<hbm>> -> memref<8x2048xf32, #tpu.memory_space<hbm>>
      %dma_wait3A_66 = arith.constant 0 : i32
      %dma_wait3A_67 = arith.constant 0 : i32
      %dma_wait3A_68 = tpu.memref_slice %arg2[%dma_wait3A_61, %dma_wait3A_66, %dma_wait3A_67] : memref<4x2048x2048xf32, #tpu.memory_space<hbm>> -> memref<1x8x2048xf32, #tpu.memory_space<hbm>>
      %dma_wait3A_69 = tpu.memref_squeeze %dma_wait3A_68 : memref<1x8x2048xf32, #tpu.memory_space<hbm>> -> memref<8x2048xf32, #tpu.memory_space<hbm>>
      tpu.wait_dma2 semaphore(%arg8 : memref<!tpu.dma_semaphore, #tpu.memory_space<semaphore_mem>>) src(%dma_wait3A_69 : memref<8x2048xf32, #tpu.memory_space<hbm>>) dst(%arg6 : memref<8x2048xf32, #tpu.memory_space<vmem>>)
      %parallel_loop3A_70 = arith.constant 0 : i32
      %parallel_loop3A_71 = arith.constant 1024 : i32
      %parallel_loop3A_72 = arith.constant 1 : i32
      scf.for %parallel_loop3A_80 = %parallel_loop3A_70 to %parallel_loop3A_71 step %parallel_loop3A_72  : i32 {
        %parallel_loop3A_81 = arith.constant 7 : i32
        %parallel_loop3A_82 = arith.shrui %parallel_loop3A_80, %parallel_loop3A_81 : i32
        %parallel_loop3A_83 = arith.constant 127 : i32
        %parallel_loop3A_84 = arith.andi %parallel_loop3A_80, %parallel_loop3A_83 : i32
        %parallel_loop3A_85 = arith.constant 16 : i32
        %parallel_loop3A_86 = arith.muli %parallel_loop3A_84, %parallel_loop3A_85 : i32
        %parallel_loop3A_87 = arith.index_cast %parallel_loop3A_82 : i32 to index
        %parallel_loop3A_88 = arith.index_cast %parallel_loop3A_86 : i32 to index
        %parallel_loop3A_89 = tpu.vector_load %arg6[%parallel_loop3A_87, %parallel_loop3A_88] {strides = array<i32>} : memref<8x2048xf32, #tpu.memory_space<vmem>>, vector<16xf32>,
        %parallel_loop3A_90 = vector.bitcast %parallel_loop3A_89 : vector<16xf32> to vector<16xi32>
        %parallel_loop3A_91 = arith.constant 23 : i32
        %parallel_loop3A_92 = vector.broadcast %parallel_loop3A_91 : i32 to vector<16xi32>
        %parallel_loop3A_93 = arith.shrui %parallel_loop3A_90, %parallel_loop3A_92 : vector<16xi32>
        %parallel_loop3A_94 = arith.constant 255 : i32
        %parallel_loop3A_95 = vector.broadcast %parallel_loop3A_94 : i32 to vector<16xi32>
        %parallel_loop3A_96 = arith.andi %parallel_loop3A_93, %parallel_loop3A_95 : vector<16xi32>
        %parallel_loop3A_97 = arith.constant 16 : i32
        %parallel_loop3A_98 = vector.broadcast %parallel_loop3A_97 : i32 to vector<16xi32>
        %parallel_loop3A_99 = arith.shrui %parallel_loop3A_90, %parallel_loop3A_98 : vector<16xi32>
        %parallel_loop3A_100 = arith.constant 127 : i32
        %parallel_loop3A_101 = vector.broadcast %parallel_loop3A_100 : i32 to vector<16xi32>
        %parallel_loop3A_102 = arith.andi %parallel_loop3A_99, %parallel_loop3A_101 : vector<16xi32>
        tpu.vector_store_idx %arg4[%parallel_loop3A_96, %parallel_loop3A_102], %broadcast_in_dim3A_7 {add = true} : memref<512x128xi32, #tpu.memory_space<vmem>>[vector<16xi32>, vector<16xi32>], vector<16xi32>,
      } {sc.loop_unroll_factor = 16 : i64, sc.parallel_access}
      %add3A_73 = arith.constant 2 : i32
      %add3A_74 = arith.addi %add3A_60, %add3A_73 : i32
      %lt3A_75 = arith.constant 32 : i32
      %lt3A_76 = arith.cmpi slt, %add3A_74, %lt3A_75 : i32
      %convert_element_type3A_77 = arith.extui %lt3A_76 : i1 to i32
      %cond3A_78 = arith.constant 0 : i32
      %cond3A_79 = arith.cmpi ne, %convert_element_type3A_77, %cond3A_78 : i32
      scf.if %cond3A_79 {
        %add3A_80 = arith.addi %mul3A_2, %add3A_60 : i32
        %add3A_81 = arith.constant 2 : i32
        %add3A_82 = arith.addi %add3A_80, %add3A_81 : i32
        %shift_right_logical3A_83 = arith.constant 8 : i32
        %shift_right_logical3A_84 = arith.shrui %add3A_82, %shift_right_logical3A_83 : i32
        %and3A_85 = arith.constant 255 : i32
        %and3A_86 = arith.andi %add3A_82, %and3A_85 : i32
        %mul3A_87 = arith.constant 8 : i32
        %mul3A_88 = arith.muli %and3A_86, %mul3A_87 : i32
        %dma_start3A_89 = arith.constant 0 : i32
        %dma_start3A_90 = tpu.memref_slice %arg2[%shift_right_logical3A_84, %mul3A_88, %dma_start3A_89] : memref<4x2048x2048xf32, #tpu.memory_space<hbm>> -> memref<1x8x2048xf32, #tpu.memory_space<hbm>>
        %dma_start3A_91 = tpu.memref_squeeze %dma_start3A_90 : memref<1x8x2048xf32, #tpu.memory_space<hbm>> -> memref<8x2048xf32, #tpu.memory_space<hbm>>
        %dma_start3A_92 = arith.constant 0 : i32
        %dma_start3A_93 = tpu.memref_slice %arg2[%shift_right_logical3A_84, %mul3A_88, %dma_start3A_92] : memref<4x2048x2048xf32, #tpu.memory_space<hbm>> -> memref<1x8x2048xf32, #tpu.memory_space<hbm>>
        %dma_start3A_94 = tpu.memref_squeeze %dma_start3A_93 : memref<1x8x2048xf32, #tpu.memory_space<hbm>> -> memref<8x2048xf32, #tpu.memory_space<hbm>>
        tpu.enqueue_dma source(%dma_start3A_94 : memref<8x2048xf32, #tpu.memory_space<hbm>>) target(%arg6 : memref<8x2048xf32, #tpu.memory_space<vmem>>) target_semaphore(%arg8 : memref<!tpu.dma_semaphore, #tpu.memory_space<semaphore_mem>>)
      } else {
      }
    }
    %scan3A_36 = arith.constant 16 : i32
    "tpu.region"() ({
      %run_scoped3A = tpu.sem_alloc : memref<!tpu.dma_semaphore, #tpu.memory_space<semaphore_mem>>
      %dma_start3A_37 = arith.constant 0 : i32
      %dma_start3A_38 = arith.constant 0 : i32
      %dma_start3A_39 = tpu.memref_slice %arg3[%add3A, %dma_start3A_37, %dma_start3A_38] : memref<32x512x128xi32, #tpu.memory_space<hbm>> -> memref<1x512x128xi32, #tpu.memory_space<hbm>>
      %dma_start3A_40 = tpu.memref_squeeze %dma_start3A_39 : memref<1x512x128xi32, #tpu.memory_space<hbm>> -> memref<512x128xi32, #tpu.memory_space<hbm>>
      %dma_start3A_41 = arith.constant 0 : i32
      %dma_start3A_42 = arith.constant 0 : i32
      %dma_start3A_43 = tpu.memref_slice %arg3[%add3A, %dma_start3A_41, %dma_start3A_42] : memref<32x512x128xi32, #tpu.memory_space<hbm>> -> memref<1x512x128xi32, #tpu.memory_space<hbm>>
      %dma_start3A_44 = tpu.memref_squeeze %dma_start3A_43 : memref<1x512x128xi32, #tpu.memory_space<hbm>> -> memref<512x128xi32, #tpu.memory_space<hbm>>
      tpu.enqueue_dma source(%arg4 : memref<512x128xi32, #tpu.memory_space<vmem>>) target(%dma_start3A_44 : memref<512x128xi32, #tpu.memory_space<hbm>>) target_semaphore(%run_scoped3A : memref<!tpu.dma_semaphore, #tpu.memory_space<semaphore_mem>>)
      %dma_wait3A = arith.constant 0 : i32
      %dma_wait3A_45 = arith.constant 0 : i32
      %dma_wait3A_46 = tpu.memref_slice %arg3[%add3A, %dma_wait3A, %dma_wait3A_45] : memref<32x512x128xi32, #tpu.memory_space<hbm>> -> memref<1x512x128xi32, #tpu.memory_space<hbm>>
      %dma_wait3A_47 = tpu.memref_squeeze %dma_wait3A_46 : memref<1x512x128xi32, #tpu.memory_space<hbm>> -> memref<512x128xi32, #tpu.memory_space<hbm>>
      %dma_wait3A_48 = arith.constant 0 : i32
      %dma_wait3A_49 = arith.constant 0 : i32
      %dma_wait3A_50 = tpu.memref_slice %arg3[%add3A, %dma_wait3A_48, %dma_wait3A_49] : memref<32x512x128xi32, #tpu.memory_space<hbm>> -> memref<1x512x128xi32, #tpu.memory_space<hbm>>
      %dma_wait3A_51 = tpu.memref_squeeze %dma_wait3A_50 : memref<1x512x128xi32, #tpu.memory_space<hbm>> -> memref<512x128xi32, #tpu.memory_space<hbm>>
      tpu.wait_dma2 semaphore(%run_scoped3A : memref<!tpu.dma_semaphore, #tpu.memory_space<semaphore_mem>>) src(%arg4 : memref<512x128xi32, #tpu.memory_space<vmem>>) dst(%dma_wait3A_51 : memref<512x128xi32, #tpu.memory_space<hbm>>)
      tpu.yield
    }) : () -> ()
    return
  }
}

#map = affine_map<(d0, d1) -> (0, 0, 0)>
#map1 = affine_map<(d0, d1) -> (0)>
module attributes {stable_mosaic.version = 14 : i64} {
  func.func @body(%arg0: i32, %arg1: i32, %arg2: memref<4x2048x2048xf32, #tpu.memory_space<hbm>>, %arg3: memref<16xi32, #tpu.memory_space<hbm>>, %arg4: memref<32x512x128xi32, #tpu.memory_space<hbm>>, %arg5: memref<512x128xi32, #tpu.memory_space<vmem>>, %arg6: memref<8x2048xf32, #tpu.memory_space<vmem>>, %arg7: memref<8x2048xf32, #tpu.memory_space<vmem>>, %arg8: memref<!tpu.dma_semaphore, #tpu.memory_space<semaphore_mem>>, %arg9: memref<!tpu.dma_semaphore, #tpu.memory_space<semaphore_mem>>, %arg10: memref<16xi32, #tpu.memory_space<vmem>>) attributes {dimension_semantics = [#tpu.dimension_semantics<core_parallel>, #tpu.dimension_semantics<subcore_parallel>], iteration_bounds = array<i64: 2, 16>, scalar_prefetch = 0 : i64, scratch_operands = 6 : i64, tpu.core_type = #tpu.core_type<sc_vector_subcore>, window_params = [{transform_indices = #map}, {transform_indices = #map1}, {transform_indices = #map}]} {
    %mul3A = arith.constant 2 : i32
    %mul3A_0 = arith.muli %arg1, %mul3A : i32
    %add3A = arith.addi %mul3A_0, %arg0 : i32
    %mul3A_1 = arith.constant 32 : i32
    %mul3A_2 = arith.muli %add3A, %mul3A_1 : i32
    %broadcast_in_dim3A = arith.constant 0 : i32
    %broadcast_in_dim3A_3 = vector.broadcast %broadcast_in_dim3A : i32 to vector<16xi32>
    %parallel_loop3A = arith.constant 0 : i32
    %parallel_loop3A_4 = arith.constant 512 : i32
    %parallel_loop3A_5 = arith.constant 1 : i32
    scf.for %parallel_loop3A_40 = %parallel_loop3A to %parallel_loop3A_4 step %parallel_loop3A_5  : i32 {
      %parallel_loop3A_41 = arith.index_cast %parallel_loop3A_40 : i32 to index
      %parallel_loop3A_42 = arith.constant 0 : index
      %parallel_loop3A_43 = tpu.vector_load %arg5[%parallel_loop3A_41, %parallel_loop3A_42] {strides = array<i32>} : memref<512x128xi32, #tpu.memory_space<vmem>>, vector<16xi32>,
      tpu.vector_store %arg5[%parallel_loop3A_41, %parallel_loop3A_42], %broadcast_in_dim3A_3 {strides = array<i32>} : memref<512x128xi32, #tpu.memory_space<vmem>>, vector<16xi32>,
      %parallel_loop3A_44 = arith.index_cast %parallel_loop3A_40 : i32 to index
      %parallel_loop3A_45 = arith.constant 16 : index
      %parallel_loop3A_46 = tpu.vector_load %arg5[%parallel_loop3A_44, %parallel_loop3A_45] {strides = array<i32>} : memref<512x128xi32, #tpu.memory_space<vmem>>, vector<16xi32>,
      tpu.vector_store %arg5[%parallel_loop3A_44, %parallel_loop3A_45], %broadcast_in_dim3A_3 {strides = array<i32>} : memref<512x128xi32, #tpu.memory_space<vmem>>, vector<16xi32>,
      %parallel_loop3A_47 = arith.index_cast %parallel_loop3A_40 : i32 to index
      %parallel_loop3A_48 = arith.constant 32 : index
      %parallel_loop3A_49 = tpu.vector_load %arg5[%parallel_loop3A_47, %parallel_loop3A_48] {strides = array<i32>} : memref<512x128xi32, #tpu.memory_space<vmem>>, vector<16xi32>,
      tpu.vector_store %arg5[%parallel_loop3A_47, %parallel_loop3A_48], %broadcast_in_dim3A_3 {strides = array<i32>} : memref<512x128xi32, #tpu.memory_space<vmem>>, vector<16xi32>,
      %parallel_loop3A_50 = arith.index_cast %parallel_loop3A_40 : i32 to index
      %parallel_loop3A_51 = arith.constant 48 : index
      %parallel_loop3A_52 = tpu.vector_load %arg5[%parallel_loop3A_50, %parallel_loop3A_51] {strides = array<i32>} : memref<512x128xi32, #tpu.memory_space<vmem>>, vector<16xi32>,
      tpu.vector_store %arg5[%parallel_loop3A_50, %parallel_loop3A_51], %broadcast_in_dim3A_3 {strides = array<i32>} : memref<512x128xi32, #tpu.memory_space<vmem>>, vector<16xi32>,
      %parallel_loop3A_53 = arith.index_cast %parallel_loop3A_40 : i32 to index
      %parallel_loop3A_54 = arith.constant 64 : index
      %parallel_loop3A_55 = tpu.vector_load %arg5[%parallel_loop3A_53, %parallel_loop3A_54] {strides = array<i32>} : memref<512x128xi32, #tpu.memory_space<vmem>>, vector<16xi32>,
      tpu.vector_store %arg5[%parallel_loop3A_53, %parallel_loop3A_54], %broadcast_in_dim3A_3 {strides = array<i32>} : memref<512x128xi32, #tpu.memory_space<vmem>>, vector<16xi32>,
      %parallel_loop3A_56 = arith.index_cast %parallel_loop3A_40 : i32 to index
      %parallel_loop3A_57 = arith.constant 80 : index
      %parallel_loop3A_58 = tpu.vector_load %arg5[%parallel_loop3A_56, %parallel_loop3A_57] {strides = array<i32>} : memref<512x128xi32, #tpu.memory_space<vmem>>, vector<16xi32>,
      tpu.vector_store %arg5[%parallel_loop3A_56, %parallel_loop3A_57], %broadcast_in_dim3A_3 {strides = array<i32>} : memref<512x128xi32, #tpu.memory_space<vmem>>, vector<16xi32>,
      %parallel_loop3A_59 = arith.index_cast %parallel_loop3A_40 : i32 to index
      %parallel_loop3A_60 = arith.constant 96 : index
      %parallel_loop3A_61 = tpu.vector_load %arg5[%parallel_loop3A_59, %parallel_loop3A_60] {strides = array<i32>} : memref<512x128xi32, #tpu.memory_space<vmem>>, vector<16xi32>,
      tpu.vector_store %arg5[%parallel_loop3A_59, %parallel_loop3A_60], %broadcast_in_dim3A_3 {strides = array<i32>} : memref<512x128xi32, #tpu.memory_space<vmem>>, vector<16xi32>,
      %parallel_loop3A_62 = arith.index_cast %parallel_loop3A_40 : i32 to index
      %parallel_loop3A_63 = arith.constant 112 : index
      %parallel_loop3A_64 = tpu.vector_load %arg5[%parallel_loop3A_62, %parallel_loop3A_63] {strides = array<i32>} : memref<512x128xi32, #tpu.memory_space<vmem>>, vector<16xi32>,
      tpu.vector_store %arg5[%parallel_loop3A_62, %parallel_loop3A_63], %broadcast_in_dim3A_3 {strides = array<i32>} : memref<512x128xi32, #tpu.memory_space<vmem>>, vector<16xi32>,
    } {sc.loop_unroll_factor = 4 : i64, sc.parallel_access}
    "tpu.region"() ({
      %run_scoped3A = tpu.sem_alloc : memref<!tpu.dma_semaphore, #tpu.memory_space<semaphore_mem>>
      tpu.enqueue_dma source(%arg3 : memref<16xi32, #tpu.memory_space<hbm>>) target(%arg10 : memref<16xi32, #tpu.memory_space<vmem>>) target_semaphore(%run_scoped3A : memref<!tpu.dma_semaphore, #tpu.memory_space<semaphore_mem>>)
      tpu.wait_dma2 semaphore(%run_scoped3A : memref<!tpu.dma_semaphore, #tpu.memory_space<semaphore_mem>>) src(%arg3 : memref<16xi32, #tpu.memory_space<hbm>>) dst(%arg10 : memref<16xi32, #tpu.memory_space<vmem>>)
      tpu.yield
    }) : () -> ()
    %get3A = arith.constant 0 : index
    %get3A_6 = tpu.vector_load %arg10[%get3A] {strides = array<i32>} : memref<16xi32, #tpu.memory_space<vmem>>, vector<16xi32>,
    %shift_left3A = arith.constant 16 : i32
    %shift_left3A_7 = vector.broadcast %shift_left3A : i32 to vector<16xi32>
    %shift_left3A_8 = arith.shli %get3A_6, %shift_left3A_7 : vector<16xi32>
    %broadcast_in_dim3A_9 = arith.constant 1 : i32
    %broadcast_in_dim3A_10 = vector.broadcast %broadcast_in_dim3A_9 : i32 to vector<16xi32>
    %add3A_11 = arith.constant 0 : i32
    %add3A_12 = arith.addi %mul3A_2, %add3A_11 : i32
    %shift_right_logical3A = arith.constant 8 : i32
    %shift_right_logical3A_13 = arith.shrui %add3A_12, %shift_right_logical3A : i32
    %and3A = arith.constant 255 : i32
    %and3A_14 = arith.andi %add3A_12, %and3A : i32
    %mul3A_15 = arith.constant 8 : i32
    %mul3A_16 = arith.muli %and3A_14, %mul3A_15 : i32
    %dma_start3A = arith.constant 0 : i32
    %dma_start3A_17 = tpu.memref_slice %arg2[%shift_right_logical3A_13, %mul3A_16, %dma_start3A] : memref<4x2048x2048xf32, #tpu.memory_space<hbm>> -> memref<1x8x2048xf32, #tpu.memory_space<hbm>>
    %dma_start3A_18 = tpu.memref_squeeze %dma_start3A_17 : memref<1x8x2048xf32, #tpu.memory_space<hbm>> -> memref<8x2048xf32, #tpu.memory_space<hbm>>
    %dma_start3A_19 = arith.constant 0 : i32
    %dma_start3A_20 = tpu.memref_slice %arg2[%shift_right_logical3A_13, %mul3A_16, %dma_start3A_19] : memref<4x2048x2048xf32, #tpu.memory_space<hbm>> -> memref<1x8x2048xf32, #tpu.memory_space<hbm>>
    %dma_start3A_21 = tpu.memref_squeeze %dma_start3A_20 : memref<1x8x2048xf32, #tpu.memory_space<hbm>> -> memref<8x2048xf32, #tpu.memory_space<hbm>>
    tpu.enqueue_dma source(%dma_start3A_21 : memref<8x2048xf32, #tpu.memory_space<hbm>>) target(%arg6 : memref<8x2048xf32, #tpu.memory_space<vmem>>) target_semaphore(%arg8 : memref<!tpu.dma_semaphore, #tpu.memory_space<semaphore_mem>>)
    %add3A_22 = arith.constant 1 : i32
    %add3A_23 = arith.addi %mul3A_2, %add3A_22 : i32
    %shift_right_logical3A_24 = arith.constant 8 : i32
    %shift_right_logical3A_25 = arith.shrui %add3A_23, %shift_right_logical3A_24 : i32
    %and3A_26 = arith.constant 255 : i32
    %and3A_27 = arith.andi %add3A_23, %and3A_26 : i32
    %mul3A_28 = arith.constant 8 : i32
    %mul3A_29 = arith.muli %and3A_27, %mul3A_28 : i32
    %dma_start3A_30 = arith.constant 0 : i32
    %dma_start3A_31 = tpu.memref_slice %arg2[%shift_right_logical3A_25, %mul3A_29, %dma_start3A_30] : memref<4x2048x2048xf32, #tpu.memory_space<hbm>> -> memref<1x8x2048xf32, #tpu.memory_space<hbm>>
    %dma_start3A_32 = tpu.memref_squeeze %dma_start3A_31 : memref<1x8x2048xf32, #tpu.memory_space<hbm>> -> memref<8x2048xf32, #tpu.memory_space<hbm>>
    %dma_start3A_33 = arith.constant 0 : i32
    %dma_start3A_34 = tpu.memref_slice %arg2[%shift_right_logical3A_25, %mul3A_29, %dma_start3A_33] : memref<4x2048x2048xf32, #tpu.memory_space<hbm>> -> memref<1x8x2048xf32, #tpu.memory_space<hbm>>
    %dma_start3A_35 = tpu.memref_squeeze %dma_start3A_34 : memref<1x8x2048xf32, #tpu.memory_space<hbm>> -> memref<8x2048xf32, #tpu.memory_space<hbm>>
    tpu.enqueue_dma source(%dma_start3A_35 : memref<8x2048xf32, #tpu.memory_space<hbm>>) target(%arg7 : memref<8x2048xf32, #tpu.memory_space<vmem>>) target_semaphore(%arg9 : memref<!tpu.dma_semaphore, #tpu.memory_space<semaphore_mem>>)
    %scan3A = arith.constant 0 : i32
    %scan3A_36 = arith.constant 16 : i32
    %scan3A_37 = arith.addi %scan3A, %scan3A_36 : i32
    %scan3A_38 = arith.constant 1 : i32
    scf.for %scan3A_40 = %scan3A to %scan3A_37 step %scan3A_38  : i32 {
      %mul3A_41 = arith.constant 2 : i32
      %mul3A_42 = arith.muli %scan3A_40, %mul3A_41 : i32
      %add3A_43 = arith.constant 0 : i32
      %add3A_44 = arith.addi %add3A_43, %mul3A_42 : i32
      %add3A_45 = arith.constant 0 : i32
      %add3A_46 = arith.addi %add3A_44, %add3A_45 : i32
      %dma_wait3A = arith.constant 0 : i32
      %dma_wait3A_47 = arith.constant 0 : i32
      %dma_wait3A_48 = arith.constant 0 : i32
      %dma_wait3A_49 = tpu.memref_slice %arg2[%dma_wait3A, %dma_wait3A_47, %dma_wait3A_48] : memref<4x2048x2048xf32, #tpu.memory_space<hbm>> -> memref<1x8x2048xf32, #tpu.memory_space<hbm>>
      %dma_wait3A_50 = tpu.memref_squeeze %dma_wait3A_49 : memref<1x8x2048xf32, #tpu.memory_space<hbm>> -> memref<8x2048xf32, #tpu.memory_space<hbm>>
      %dma_wait3A_51 = arith.constant 0 : i32
      %dma_wait3A_52 = arith.constant 0 : i32
      %dma_wait3A_53 = tpu.memref_slice %arg2[%dma_wait3A, %dma_wait3A_51, %dma_wait3A_52] : memref<4x2048x2048xf32, #tpu.memory_space<hbm>> -> memref<1x8x2048xf32, #tpu.memory_space<hbm>>
      %dma_wait3A_54 = tpu.memref_squeeze %dma_wait3A_53 : memref<1x8x2048xf32, #tpu.memory_space<hbm>> -> memref<8x2048xf32, #tpu.memory_space<hbm>>
      tpu.wait_dma2 semaphore(%arg8 : memref<!tpu.dma_semaphore, #tpu.memory_space<semaphore_mem>>) src(%dma_wait3A_54 : memref<8x2048xf32, #tpu.memory_space<hbm>>) dst(%arg6 : memref<8x2048xf32, #tpu.memory_space<vmem>>)
      %parallel_loop3A_55 = arith.constant 0 : i32
      %parallel_loop3A_56 = arith.constant 1024 : i32
      %parallel_loop3A_57 = arith.constant 1 : i32
      scf.for %parallel_loop3A_83 = %parallel_loop3A_55 to %parallel_loop3A_56 step %parallel_loop3A_57  : i32 {
        %parallel_loop3A_84 = arith.constant 7 : i32
        %parallel_loop3A_85 = arith.shrui %parallel_loop3A_83, %parallel_loop3A_84 : i32
        %parallel_loop3A_86 = arith.constant 127 : i32
        %parallel_loop3A_87 = arith.andi %parallel_loop3A_83, %parallel_loop3A_86 : i32
        %parallel_loop3A_88 = arith.constant 16 : i32
        %parallel_loop3A_89 = arith.muli %parallel_loop3A_87, %parallel_loop3A_88 : i32
        %parallel_loop3A_90 = arith.index_cast %parallel_loop3A_85 : i32 to index
        %parallel_loop3A_91 = arith.index_cast %parallel_loop3A_89 : i32 to index
        %parallel_loop3A_92 = tpu.vector_load %arg6[%parallel_loop3A_90, %parallel_loop3A_91] {strides = array<i32>} : memref<8x2048xf32, #tpu.memory_space<vmem>>, vector<16xf32>,
        %parallel_loop3A_93 = vector.bitcast %parallel_loop3A_92 : vector<16xf32> to vector<16xi32>
        %parallel_loop3A_94 = arith.constant 2147418112 : i32
        %parallel_loop3A_95 = vector.broadcast %parallel_loop3A_94 : i32 to vector<16xi32>
        %parallel_loop3A_96 = arith.andi %parallel_loop3A_93, %parallel_loop3A_95 : vector<16xi32>
        %parallel_loop3A_97 = arith.constant 7 : i32
        %parallel_loop3A_98 = vector.broadcast %parallel_loop3A_97 : i32 to vector<16xi32>
        %parallel_loop3A_99 = arith.shrui %parallel_loop3A_93, %parallel_loop3A_98 : vector<16xi32>
        %parallel_loop3A_100 = arith.constant 511 : i32
        %parallel_loop3A_101 = vector.broadcast %parallel_loop3A_100 : i32 to vector<16xi32>
        %parallel_loop3A_102 = arith.andi %parallel_loop3A_99, %parallel_loop3A_101 : vector<16xi32>
        %parallel_loop3A_103 = arith.constant 127 : i32
        %parallel_loop3A_104 = vector.broadcast %parallel_loop3A_103 : i32 to vector<16xi32>
        %parallel_loop3A_105 = arith.andi %parallel_loop3A_93, %parallel_loop3A_104 : vector<16xi32>
        %parallel_loop3A_106 = arith.cmpi eq, %parallel_loop3A_96, %shift_left3A_8 : vector<16xi32>
        tpu.vector_store_idx %arg5[%parallel_loop3A_102, %parallel_loop3A_105], %broadcast_in_dim3A_10 masked %parallel_loop3A_106 {add = true} : memref<512x128xi32, #tpu.memory_space<vmem>>[vector<16xi32>, vector<16xi32>], vector<16xi32>, vector<16xi1>
      } {sc.loop_unroll_factor = 16 : i64, sc.parallel_access}
      %add3A_58 = arith.constant 2 : i32
      %add3A_59 = arith.addi %add3A_46, %add3A_58 : i32
      %lt3A = arith.constant 32 : i32
      %lt3A_60 = arith.cmpi slt, %add3A_59, %lt3A : i32
      %convert_element_type3A = arith.extui %lt3A_60 : i1 to i32
      %cond3A = arith.constant 0 : i32
      %cond3A_61 = arith.cmpi ne, %convert_element_type3A, %cond3A : i32
      scf.if %cond3A_61 {
        %add3A_83 = arith.addi %mul3A_2, %add3A_46 : i32
        %add3A_84 = arith.constant 2 : i32
        %add3A_85 = arith.addi %add3A_83, %add3A_84 : i32
        %shift_right_logical3A_86 = arith.constant 8 : i32
        %shift_right_logical3A_87 = arith.shrui %add3A_85, %shift_right_logical3A_86 : i32
        %and3A_88 = arith.constant 255 : i32
        %and3A_89 = arith.andi %add3A_85, %and3A_88 : i32
        %mul3A_90 = arith.constant 8 : i32
        %mul3A_91 = arith.muli %and3A_89, %mul3A_90 : i32
        %dma_start3A_92 = arith.constant 0 : i32
        %dma_start3A_93 = tpu.memref_slice %arg2[%shift_right_logical3A_87, %mul3A_91, %dma_start3A_92] : memref<4x2048x2048xf32, #tpu.memory_space<hbm>> -> memref<1x8x2048xf32, #tpu.memory_space<hbm>>
        %dma_start3A_94 = tpu.memref_squeeze %dma_start3A_93 : memref<1x8x2048xf32, #tpu.memory_space<hbm>> -> memref<8x2048xf32, #tpu.memory_space<hbm>>
        %dma_start3A_95 = arith.constant 0 : i32
        %dma_start3A_96 = tpu.memref_slice %arg2[%shift_right_logical3A_87, %mul3A_91, %dma_start3A_95] : memref<4x2048x2048xf32, #tpu.memory_space<hbm>> -> memref<1x8x2048xf32, #tpu.memory_space<hbm>>
        %dma_start3A_97 = tpu.memref_squeeze %dma_start3A_96 : memref<1x8x2048xf32, #tpu.memory_space<hbm>> -> memref<8x2048xf32, #tpu.memory_space<hbm>>
        tpu.enqueue_dma source(%dma_start3A_97 : memref<8x2048xf32, #tpu.memory_space<hbm>>) target(%arg6 : memref<8x2048xf32, #tpu.memory_space<vmem>>) target_semaphore(%arg8 : memref<!tpu.dma_semaphore, #tpu.memory_space<semaphore_mem>>)
      } else {
      }
      %add3A_62 = arith.constant 1 : i32
      %add3A_63 = arith.addi %add3A_44, %add3A_62 : i32
      %dma_wait3A_64 = arith.constant 0 : i32
      %dma_wait3A_65 = arith.constant 0 : i32
      %dma_wait3A_66 = arith.constant 0 : i32
      %dma_wait3A_67 = tpu.memref_slice %arg2[%dma_wait3A_64, %dma_wait3A_65, %dma_wait3A_66] : memref<4x2048x2048xf32, #tpu.memory_space<hbm>> -> memref<1x8x2048xf32, #tpu.memory_space<hbm>>
      %dma_wait3A_68 = tpu.memref_squeeze %dma_wait3A_67 : memref<1x8x2048xf32, #tpu.memory_space<hbm>> -> memref<8x2048xf32, #tpu.memory_space<hbm>>
      %dma_wait3A_69 = arith.constant 0 : i32
      %dma_wait3A_70 = arith.constant 0 : i32
      %dma_wait3A_71 = tpu.memref_slice %arg2[%dma_wait3A_64, %dma_wait3A_69, %dma_wait3A_70] : memref<4x2048x2048xf32, #tpu.memory_space<hbm>> -> memref<1x8x2048xf32, #tpu.memory_space<hbm>>
      %dma_wait3A_72 = tpu.memref_squeeze %dma_wait3A_71 : memref<1x8x2048xf32, #tpu.memory_space<hbm>> -> memref<8x2048xf32, #tpu.memory_space<hbm>>
      tpu.wait_dma2 semaphore(%arg9 : memref<!tpu.dma_semaphore, #tpu.memory_space<semaphore_mem>>) src(%dma_wait3A_72 : memref<8x2048xf32, #tpu.memory_space<hbm>>) dst(%arg7 : memref<8x2048xf32, #tpu.memory_space<vmem>>)
      %parallel_loop3A_73 = arith.constant 0 : i32
      %parallel_loop3A_74 = arith.constant 1024 : i32
      %parallel_loop3A_75 = arith.constant 1 : i32
      scf.for %parallel_loop3A_83 = %parallel_loop3A_73 to %parallel_loop3A_74 step %parallel_loop3A_75  : i32 {
        %parallel_loop3A_84 = arith.constant 7 : i32
        %parallel_loop3A_85 = arith.shrui %parallel_loop3A_83, %parallel_loop3A_84 : i32
        %parallel_loop3A_86 = arith.constant 127 : i32
        %parallel_loop3A_87 = arith.andi %parallel_loop3A_83, %parallel_loop3A_86 : i32
        %parallel_loop3A_88 = arith.constant 16 : i32
        %parallel_loop3A_89 = arith.muli %parallel_loop3A_87, %parallel_loop3A_88 : i32
        %parallel_loop3A_90 = arith.index_cast %parallel_loop3A_85 : i32 to index
        %parallel_loop3A_91 = arith.index_cast %parallel_loop3A_89 : i32 to index
        %parallel_loop3A_92 = tpu.vector_load %arg7[%parallel_loop3A_90, %parallel_loop3A_91] {strides = array<i32>} : memref<8x2048xf32, #tpu.memory_space<vmem>>, vector<16xf32>,
        %parallel_loop3A_93 = vector.bitcast %parallel_loop3A_92 : vector<16xf32> to vector<16xi32>
        %parallel_loop3A_94 = arith.constant 2147418112 : i32
        %parallel_loop3A_95 = vector.broadcast %parallel_loop3A_94 : i32 to vector<16xi32>
        %parallel_loop3A_96 = arith.andi %parallel_loop3A_93, %parallel_loop3A_95 : vector<16xi32>
        %parallel_loop3A_97 = arith.constant 7 : i32
        %parallel_loop3A_98 = vector.broadcast %parallel_loop3A_97 : i32 to vector<16xi32>
        %parallel_loop3A_99 = arith.shrui %parallel_loop3A_93, %parallel_loop3A_98 : vector<16xi32>
        %parallel_loop3A_100 = arith.constant 511 : i32
        %parallel_loop3A_101 = vector.broadcast %parallel_loop3A_100 : i32 to vector<16xi32>
        %parallel_loop3A_102 = arith.andi %parallel_loop3A_99, %parallel_loop3A_101 : vector<16xi32>
        %parallel_loop3A_103 = arith.constant 127 : i32
        %parallel_loop3A_104 = vector.broadcast %parallel_loop3A_103 : i32 to vector<16xi32>
        %parallel_loop3A_105 = arith.andi %parallel_loop3A_93, %parallel_loop3A_104 : vector<16xi32>
        %parallel_loop3A_106 = arith.cmpi eq, %parallel_loop3A_96, %shift_left3A_8 : vector<16xi32>
        tpu.vector_store_idx %arg5[%parallel_loop3A_102, %parallel_loop3A_105], %broadcast_in_dim3A_10 masked %parallel_loop3A_106 {add = true} : memref<512x128xi32, #tpu.memory_space<vmem>>[vector<16xi32>, vector<16xi32>], vector<16xi32>, vector<16xi1>
      } {sc.loop_unroll_factor = 16 : i64, sc.parallel_access}
      %add3A_76 = arith.constant 2 : i32
      %add3A_77 = arith.addi %add3A_63, %add3A_76 : i32
      %lt3A_78 = arith.constant 32 : i32
      %lt3A_79 = arith.cmpi slt, %add3A_77, %lt3A_78 : i32
      %convert_element_type3A_80 = arith.extui %lt3A_79 : i1 to i32
      %cond3A_81 = arith.constant 0 : i32
      %cond3A_82 = arith.cmpi ne, %convert_element_type3A_80, %cond3A_81 : i32
      scf.if %cond3A_82 {
        %add3A_83 = arith.addi %mul3A_2, %add3A_63 : i32
        %add3A_84 = arith.constant 2 : i32
        %add3A_85 = arith.addi %add3A_83, %add3A_84 : i32
        %shift_right_logical3A_86 = arith.constant 8 : i32
        %shift_right_logical3A_87 = arith.shrui %add3A_85, %shift_right_logical3A_86 : i32
        %and3A_88 = arith.constant 255 : i32
        %and3A_89 = arith.andi %add3A_85, %and3A_88 : i32
        %mul3A_90 = arith.constant 8 : i32
        %mul3A_91 = arith.muli %and3A_89, %mul3A_90 : i32
        %dma_start3A_92 = arith.constant 0 : i32
        %dma_start3A_93 = tpu.memref_slice %arg2[%shift_right_logical3A_87, %mul3A_91, %dma_start3A_92] : memref<4x2048x2048xf32, #tpu.memory_space<hbm>> -> memref<1x8x2048xf32, #tpu.memory_space<hbm>>
        %dma_start3A_94 = tpu.memref_squeeze %dma_start3A_93 : memref<1x8x2048xf32, #tpu.memory_space<hbm>> -> memref<8x2048xf32, #tpu.memory_space<hbm>>
        %dma_start3A_95 = arith.constant 0 : i32
        %dma_start3A_96 = tpu.memref_slice %arg2[%shift_right_logical3A_87, %mul3A_91, %dma_start3A_95] : memref<4x2048x2048xf32, #tpu.memory_space<hbm>> -> memref<1x8x2048xf32, #tpu.memory_space<hbm>>
        %dma_start3A_97 = tpu.memref_squeeze %dma_start3A_96 : memref<1x8x2048xf32, #tpu.memory_space<hbm>> -> memref<8x2048xf32, #tpu.memory_space<hbm>>
        tpu.enqueue_dma source(%dma_start3A_97 : memref<8x2048xf32, #tpu.memory_space<hbm>>) target(%arg7 : memref<8x2048xf32, #tpu.memory_space<vmem>>) target_semaphore(%arg9 : memref<!tpu.dma_semaphore, #tpu.memory_space<semaphore_mem>>)
      } else {
      }
    }
    %scan3A_39 = arith.constant 16 : i32
    "tpu.region"() ({
      %run_scoped3A = tpu.sem_alloc : memref<!tpu.dma_semaphore, #tpu.memory_space<semaphore_mem>>
      %dma_start3A_40 = arith.constant 0 : i32
      %dma_start3A_41 = arith.constant 0 : i32
      %dma_start3A_42 = tpu.memref_slice %arg4[%add3A, %dma_start3A_40, %dma_start3A_41] : memref<32x512x128xi32, #tpu.memory_space<hbm>> -> memref<1x512x128xi32, #tpu.memory_space<hbm>>
      %dma_start3A_43 = tpu.memref_squeeze %dma_start3A_42 : memref<1x512x128xi32, #tpu.memory_space<hbm>> -> memref<512x128xi32, #tpu.memory_space<hbm>>
      %dma_start3A_44 = arith.constant 0 : i32
      %dma_start3A_45 = arith.constant 0 : i32
      %dma_start3A_46 = tpu.memref_slice %arg4[%add3A, %dma_start3A_44, %dma_start3A_45] : memref<32x512x128xi32, #tpu.memory_space<hbm>> -> memref<1x512x128xi32, #tpu.memory_space<hbm>>
      %dma_start3A_47 = tpu.memref_squeeze %dma_start3A_46 : memref<1x512x128xi32, #tpu.memory_space<hbm>> -> memref<512x128xi32, #tpu.memory_space<hbm>>
      tpu.enqueue_dma source(%arg5 : memref<512x128xi32, #tpu.memory_space<vmem>>) target(%dma_start3A_47 : memref<512x128xi32, #tpu.memory_space<hbm>>) target_semaphore(%run_scoped3A : memref<!tpu.dma_semaphore, #tpu.memory_space<semaphore_mem>>)
      %dma_wait3A = arith.constant 0 : i32
      %dma_wait3A_48 = arith.constant 0 : i32
      %dma_wait3A_49 = tpu.memref_slice %arg4[%add3A, %dma_wait3A, %dma_wait3A_48] : memref<32x512x128xi32, #tpu.memory_space<hbm>> -> memref<1x512x128xi32, #tpu.memory_space<hbm>>
      %dma_wait3A_50 = tpu.memref_squeeze %dma_wait3A_49 : memref<1x512x128xi32, #tpu.memory_space<hbm>> -> memref<512x128xi32, #tpu.memory_space<hbm>>
      %dma_wait3A_51 = arith.constant 0 : i32
      %dma_wait3A_52 = arith.constant 0 : i32
      %dma_wait3A_53 = tpu.memref_slice %arg4[%add3A, %dma_wait3A_51, %dma_wait3A_52] : memref<32x512x128xi32, #tpu.memory_space<hbm>> -> memref<1x512x128xi32, #tpu.memory_space<hbm>>
      %dma_wait3A_54 = tpu.memref_squeeze %dma_wait3A_53 : memref<1x512x128xi32, #tpu.memory_space<hbm>> -> memref<512x128xi32, #tpu.memory_space<hbm>>
      tpu.wait_dma2 semaphore(%run_scoped3A : memref<!tpu.dma_semaphore, #tpu.memory_space<semaphore_mem>>) src(%arg5 : memref<512x128xi32, #tpu.memory_space<vmem>>) dst(%dma_wait3A_54 : memref<512x128xi32, #tpu.memory_space<hbm>>)
      tpu.yield
    }) : () -> ()
    return
  }
}

module attributes {stable_mosaic.version = 14 : i64} {
  func.func @body(%arg0: memref<32x512x128xi32, #tpu.memory_space<vmem>>, %arg1: memref<1x16xi32, #tpu.memory_space<vmem>>, %arg2: memref<1x1xi32, #tpu.memory_space<vmem>>) attributes {dimension_semantics = [], scalar_prefetch = 0 : i64, scratch_operands = 0 : i64, tpu.core_type = #tpu.core_type<tc>} {
    %get3A = arith.constant 0 : index
    %get3A_0 = arith.constant 0 : index
    %get3A_1 = arith.constant 0 : index
    %get3A_2 = vector.load %arg0[%get3A, %get3A_0, %get3A_1] : memref<32x512x128xi32, #tpu.memory_space<vmem>>, vector<32x512x128xi32>
    %reduce_sum3A = arith.constant dense<0> : vector<512x128xi32>
    %reduce_sum3A_3 = vector.multi_reduction <add>, %get3A_2, %reduce_sum3A [0] : vector<32x512x128xi32> to vector<512x128xi32>
    %broadcast_in_dim3A = arith.constant 0 : i32
    %broadcast_in_dim3A_4 = vector.broadcast %broadcast_in_dim3A : i32 to vector<512x1xi32>
    %slice3A = vector.extract_strided_slice %reduce_sum3A_3 {offsets = [0, 0], sizes = [512, 127], strides = [1, 1]} : vector<512x128xi32> to vector<512x127xi32>
    %concatenate3A = tpu.concatenate %broadcast_in_dim3A_4, %slice3A in 1 : vector<512x1xi32>, vector<512x127xi32> -> vector<512x128xi32>
    %add3A = arith.addi %reduce_sum3A_3, %concatenate3A : vector<512x128xi32>
    %broadcast_in_dim3A_5 = arith.constant 0 : i32
    %broadcast_in_dim3A_6 = vector.broadcast %broadcast_in_dim3A_5 : i32 to vector<512x2xi32>
    %slice3A_7 = vector.extract_strided_slice %add3A {offsets = [0, 0], sizes = [512, 126], strides = [1, 1]} : vector<512x128xi32> to vector<512x126xi32>
    %concatenate3A_8 = tpu.concatenate %broadcast_in_dim3A_6, %slice3A_7 in 1 : vector<512x2xi32>, vector<512x126xi32> -> vector<512x128xi32>
    %add3A_9 = arith.addi %add3A, %concatenate3A_8 : vector<512x128xi32>
    %broadcast_in_dim3A_10 = arith.constant 0 : i32
    %broadcast_in_dim3A_11 = vector.broadcast %broadcast_in_dim3A_10 : i32 to vector<512x4xi32>
    %slice3A_12 = vector.extract_strided_slice %add3A_9 {offsets = [0, 0], sizes = [512, 124], strides = [1, 1]} : vector<512x128xi32> to vector<512x124xi32>
    %concatenate3A_13 = tpu.concatenate %broadcast_in_dim3A_11, %slice3A_12 in 1 : vector<512x4xi32>, vector<512x124xi32> -> vector<512x128xi32>
    %add3A_14 = arith.addi %add3A_9, %concatenate3A_13 : vector<512x128xi32>
    %broadcast_in_dim3A_15 = arith.constant 0 : i32
    %broadcast_in_dim3A_16 = vector.broadcast %broadcast_in_dim3A_15 : i32 to vector<512x8xi32>
    %slice3A_17 = vector.extract_strided_slice %add3A_14 {offsets = [0, 0], sizes = [512, 120], strides = [1, 1]} : vector<512x128xi32> to vector<512x120xi32>
    %concatenate3A_18 = tpu.concatenate %broadcast_in_dim3A_16, %slice3A_17 in 1 : vector<512x8xi32>, vector<512x120xi32> -> vector<512x128xi32>
    %add3A_19 = arith.addi %add3A_14, %concatenate3A_18 : vector<512x128xi32>
    %broadcast_in_dim3A_20 = arith.constant 0 : i32
    %broadcast_in_dim3A_21 = vector.broadcast %broadcast_in_dim3A_20 : i32 to vector<512x16xi32>
    %slice3A_22 = vector.extract_strided_slice %add3A_19 {offsets = [0, 0], sizes = [512, 112], strides = [1, 1]} : vector<512x128xi32> to vector<512x112xi32>
    %concatenate3A_23 = tpu.concatenate %broadcast_in_dim3A_21, %slice3A_22 in 1 : vector<512x16xi32>, vector<512x112xi32> -> vector<512x128xi32>
    %add3A_24 = arith.addi %add3A_19, %concatenate3A_23 : vector<512x128xi32>
    %broadcast_in_dim3A_25 = arith.constant 0 : i32
    %broadcast_in_dim3A_26 = vector.broadcast %broadcast_in_dim3A_25 : i32 to vector<512x32xi32>
    %slice3A_27 = vector.extract_strided_slice %add3A_24 {offsets = [0, 0], sizes = [512, 96], strides = [1, 1]} : vector<512x128xi32> to vector<512x96xi32>
    %concatenate3A_28 = tpu.concatenate %broadcast_in_dim3A_26, %slice3A_27 in 1 : vector<512x32xi32>, vector<512x96xi32> -> vector<512x128xi32>
    %add3A_29 = arith.addi %add3A_24, %concatenate3A_28 : vector<512x128xi32>
    %broadcast_in_dim3A_30 = arith.constant 0 : i32
    %broadcast_in_dim3A_31 = vector.broadcast %broadcast_in_dim3A_30 : i32 to vector<512x64xi32>
    %slice3A_32 = vector.extract_strided_slice %add3A_29 {offsets = [0, 0], sizes = [512, 64], strides = [1, 1]} : vector<512x128xi32> to vector<512x64xi32>
    %concatenate3A_33 = tpu.concatenate %broadcast_in_dim3A_31, %slice3A_32 in 1 : vector<512x64xi32>, vector<512x64xi32> -> vector<512x128xi32>
    %add3A_34 = arith.addi %add3A_29, %concatenate3A_33 : vector<512x128xi32>
    %slice3A_35 = vector.extract_strided_slice %add3A_34 {offsets = [0, 127], sizes = [512, 1], strides = [1, 1]} : vector<512x128xi32> to vector<512x1xi32>
    %broadcast_in_dim3A_36 = arith.constant 0 : i32
    %broadcast_in_dim3A_37 = vector.broadcast %broadcast_in_dim3A_36 : i32 to vector<1x1xi32>
    %slice3A_38 = vector.extract_strided_slice %slice3A_35 {offsets = [0, 0], sizes = [511, 1], strides = [1, 1]} : vector<512x1xi32> to vector<511x1xi32>
    %concatenate3A_39 = tpu.concatenate %broadcast_in_dim3A_37, %slice3A_38 in 0 : vector<1x1xi32>, vector<511x1xi32> -> vector<512x1xi32>
    %add3A_40 = arith.addi %slice3A_35, %concatenate3A_39 : vector<512x1xi32>
    %broadcast_in_dim3A_41 = arith.constant 0 : i32
    %broadcast_in_dim3A_42 = vector.broadcast %broadcast_in_dim3A_41 : i32 to vector<2x1xi32>
    %slice3A_43 = vector.extract_strided_slice %add3A_40 {offsets = [0, 0], sizes = [510, 1], strides = [1, 1]} : vector<512x1xi32> to vector<510x1xi32>
    %concatenate3A_44 = tpu.concatenate %broadcast_in_dim3A_42, %slice3A_43 in 0 : vector<2x1xi32>, vector<510x1xi32> -> vector<512x1xi32>
    %add3A_45 = arith.addi %add3A_40, %concatenate3A_44 : vector<512x1xi32>
    %broadcast_in_dim3A_46 = arith.constant 0 : i32
    %broadcast_in_dim3A_47 = vector.broadcast %broadcast_in_dim3A_46 : i32 to vector<4x1xi32>
    %slice3A_48 = vector.extract_strided_slice %add3A_45 {offsets = [0, 0], sizes = [508, 1], strides = [1, 1]} : vector<512x1xi32> to vector<508x1xi32>
    %concatenate3A_49 = tpu.concatenate %broadcast_in_dim3A_47, %slice3A_48 in 0 : vector<4x1xi32>, vector<508x1xi32> -> vector<512x1xi32>
    %add3A_50 = arith.addi %add3A_45, %concatenate3A_49 : vector<512x1xi32>
    %broadcast_in_dim3A_51 = arith.constant 0 : i32
    %broadcast_in_dim3A_52 = vector.broadcast %broadcast_in_dim3A_51 : i32 to vector<8x1xi32>
    %slice3A_53 = vector.extract_strided_slice %add3A_50 {offsets = [0, 0], sizes = [504, 1], strides = [1, 1]} : vector<512x1xi32> to vector<504x1xi32>
    %concatenate3A_54 = tpu.concatenate %broadcast_in_dim3A_52, %slice3A_53 in 0 : vector<8x1xi32>, vector<504x1xi32> -> vector<512x1xi32>
    %add3A_55 = arith.addi %add3A_50, %concatenate3A_54 : vector<512x1xi32>
    %broadcast_in_dim3A_56 = arith.constant 0 : i32
    %broadcast_in_dim3A_57 = vector.broadcast %broadcast_in_dim3A_56 : i32 to vector<16x1xi32>
    %slice3A_58 = vector.extract_strided_slice %add3A_55 {offsets = [0, 0], sizes = [496, 1], strides = [1, 1]} : vector<512x1xi32> to vector<496x1xi32>
    %concatenate3A_59 = tpu.concatenate %broadcast_in_dim3A_57, %slice3A_58 in 0 : vector<16x1xi32>, vector<496x1xi32> -> vector<512x1xi32>
    %add3A_60 = arith.addi %add3A_55, %concatenate3A_59 : vector<512x1xi32>
    %broadcast_in_dim3A_61 = arith.constant 0 : i32
    %broadcast_in_dim3A_62 = vector.broadcast %broadcast_in_dim3A_61 : i32 to vector<32x1xi32>
    %slice3A_63 = vector.extract_strided_slice %add3A_60 {offsets = [0, 0], sizes = [480, 1], strides = [1, 1]} : vector<512x1xi32> to vector<480x1xi32>
    %concatenate3A_64 = tpu.concatenate %broadcast_in_dim3A_62, %slice3A_63 in 0 : vector<32x1xi32>, vector<480x1xi32> -> vector<512x1xi32>
    %add3A_65 = arith.addi %add3A_60, %concatenate3A_64 : vector<512x1xi32>
    %broadcast_in_dim3A_66 = arith.constant 0 : i32
    %broadcast_in_dim3A_67 = vector.broadcast %broadcast_in_dim3A_66 : i32 to vector<64x1xi32>
    %slice3A_68 = vector.extract_strided_slice %add3A_65 {offsets = [0, 0], sizes = [448, 1], strides = [1, 1]} : vector<512x1xi32> to vector<448x1xi32>
    %concatenate3A_69 = tpu.concatenate %broadcast_in_dim3A_67, %slice3A_68 in 0 : vector<64x1xi32>, vector<448x1xi32> -> vector<512x1xi32>
    %add3A_70 = arith.addi %add3A_65, %concatenate3A_69 : vector<512x1xi32>
    %broadcast_in_dim3A_71 = arith.constant 0 : i32
    %broadcast_in_dim3A_72 = vector.broadcast %broadcast_in_dim3A_71 : i32 to vector<128x1xi32>
    %slice3A_73 = vector.extract_strided_slice %add3A_70 {offsets = [0, 0], sizes = [384, 1], strides = [1, 1]} : vector<512x1xi32> to vector<384x1xi32>
    %concatenate3A_74 = tpu.concatenate %broadcast_in_dim3A_72, %slice3A_73 in 0 : vector<128x1xi32>, vector<384x1xi32> -> vector<512x1xi32>
    %add3A_75 = arith.addi %add3A_70, %concatenate3A_74 : vector<512x1xi32>
    %broadcast_in_dim3A_76 = arith.constant 0 : i32
    %broadcast_in_dim3A_77 = vector.broadcast %broadcast_in_dim3A_76 : i32 to vector<256x1xi32>
    %slice3A_78 = vector.extract_strided_slice %add3A_75 {offsets = [0, 0], sizes = [256, 1], strides = [1, 1]} : vector<512x1xi32> to vector<256x1xi32>
    %concatenate3A_79 = tpu.concatenate %broadcast_in_dim3A_77, %slice3A_78 in 0 : vector<256x1xi32>, vector<256x1xi32> -> vector<512x1xi32>
    %add3A_80 = arith.addi %add3A_75, %concatenate3A_79 : vector<512x1xi32>
    %sub3A = arith.subi %add3A_80, %slice3A_35 : vector<512x1xi32>
    %add3A_81 = vector.broadcast %sub3A : vector<512x1xi32> to vector<512x128xi32>
    %add3A_82 = arith.addi %add3A_81, %add3A_34 : vector<512x128xi32>
    %le3A = arith.constant 16609444 : i32
    %le3A_83 = vector.broadcast %le3A : i32 to vector<512x128xi32>
    %le3A_84 = arith.cmpi sle, %add3A_82, %le3A_83 : vector<512x128xi32>
    %convert_element_type3A = arith.extui %le3A_84 : vector<512x128xi1> to vector<512x128xi32>
    %reduce_sum3A_85 = vector.shape_cast %convert_element_type3A : vector<512x128xi32> to vector<1x512x128xi32>
    %reduce_sum3A_86 = arith.constant dense<0> : vector<1xi32>
    %reduce_sum3A_87 = vector.multi_reduction <add>, %reduce_sum3A_85, %reduce_sum3A_86 [1, 2] : vector<1x512x128xi32> to vector<1xi32>
    %reduce_sum3A_88 = vector.shape_cast %reduce_sum3A_87 : vector<1xi32> to vector<1x1x1xi32>
    %reduce_sum3A_89 = vector.extract %reduce_sum3A_88[0, 0, 0] : i32 from vector<1x1x1xi32>
    %jit3A = arith.constant 0 : i32
    %broadcast_in_dim3A_90 = vector.broadcast %jit3A : i32 to vector<512x128xi32>
    %select_n3A = arith.select %le3A_84, %add3A_82, %broadcast_in_dim3A_90 : vector<512x128xi1>, vector<512x128xi32>
    %reduce_max3A = vector.shape_cast %select_n3A : vector<512x128xi32> to vector<1x512x128xi32>
    %reduce_max3A_91 = arith.constant dense<-2147483648> : vector<1xi32>
    %reduce_max3A_92 = vector.multi_reduction <maxsi>, %reduce_max3A, %reduce_max3A_91 [1, 2] : vector<1x512x128xi32> to vector<1xi32>
    %reduce_max3A_93 = vector.shape_cast %reduce_max3A_92 : vector<1xi32> to vector<1x1x1xi32>
    %reduce_max3A_94 = vector.extract %reduce_max3A_93[0, 0, 0] : i32 from vector<1x1x1xi32>
    %broadcast_in_dim3A_95 = vector.broadcast %reduce_sum3A_89 : i32 to vector<1x16xi32>
    %swap3A = arith.constant 0 : index
    %swap3A_96 = arith.constant 0 : index
    %swap3A_97 = vector.load %arg1[%swap3A, %swap3A_96] : memref<1x16xi32, #tpu.memory_space<vmem>>, vector<1x16xi32>
    tpu.vector_store %arg1[%swap3A, %swap3A_96], %broadcast_in_dim3A_95 {strides = array<i32>} : memref<1x16xi32, #tpu.memory_space<vmem>>, vector<1x16xi32>,
    %sub3A_98 = arith.constant 16609444 : i32
    %sub3A_99 = arith.subi %sub3A_98, %reduce_max3A_94 : i32
    %broadcast_in_dim3A_100 = vector.broadcast %sub3A_99 : i32 to vector<1x1xi32>
    %swap3A_101 = arith.constant 0 : index
    %swap3A_102 = arith.constant 0 : index
    %swap3A_103 = vector.load %arg2[%swap3A_101, %swap3A_102] : memref<1x1xi32, #tpu.memory_space<vmem>>, vector<1x1xi32>
    tpu.vector_store %arg2[%swap3A_101, %swap3A_102], %broadcast_in_dim3A_100 {strides = array<i32>} : memref<1x1xi32, #tpu.memory_space<vmem>>, vector<1x1xi32>,
    return
  }
}

module attributes {stable_mosaic.version = 14 : i64} {
  func.func @body(%arg0: i32, %arg1: i32, %arg2: memref<1x16xi32, #tpu.memory_space<smem>>, %arg3: memref<1x1xi32, #tpu.memory_space<smem>>, %arg4: memref<1x1xf32, #tpu.memory_space<smem>>, %arg5: memref<32x512x128xi32, #tpu.memory_space<vmem>>, %arg6: memref<1x512x2048xf32, #tpu.memory_space<vmem>>, %arg7: memref<1x512x2048xf32, #tpu.memory_space<vmem>>, %arg8: memref<2xf32, #tpu.memory_space<smem>>) attributes {dimension_semantics = [#tpu.dimension_semantics<arbitrary>, #tpu.dimension_semantics<arbitrary>], iteration_bounds = array<i64: 4, 4>, scalar_prefetch = 0 : i64, scratch_operands = 1 : i64, tpu.core_type = #tpu.core_type<tc>, window_params = [{transform_indices = @transform_0, window_bounds = array<i64: 1, 16>}, {transform_indices = @transform_1, window_bounds = array<i64: 1, 1>}, {transform_indices = @transform_2, window_bounds = array<i64: 1, 1>}, {pipeline_mode = #tpu.pipeline_mode<synchronous>, transform_indices = @transform_3, window_bounds = array<i64: 32, 512, 128>}, {transform_indices = @transform_4, window_bounds = array<i64: 1, 512, 2048>}, {transform_indices = @transform_5, window_bounds = array<i64: 1, 512, 2048>}]} {
    %eq3A = arith.constant 0 : i32
    %eq3A_0 = arith.cmpi eq, %arg0, %eq3A : i32
    %eq3A_1 = arith.constant 0 : i32
    %eq3A_2 = arith.cmpi eq, %arg1, %eq3A_1 : i32
    %and3A = arith.andi %eq3A_0, %eq3A_2 : i1
    %convert_element_type3A = arith.extui %and3A : i1 to i32
    %cond3A = arith.constant 0 : i32
    %cond3A_3 = arith.cmpi ne, %convert_element_type3A, %cond3A : i32
    scf.if %cond3A_3 {
      %get3A_20 = arith.constant 0 : index
      %get3A_21 = arith.constant 0 : index
      %get3A_22 = arith.constant 0 : index
      %get3A_23 = vector.load %arg5[%get3A_20, %get3A_21, %get3A_22] : memref<32x512x128xi32, #tpu.memory_space<vmem>>, vector<32x512x128xi32>
      %reduce_sum3A = arith.constant dense<0> : vector<512x128xi32>
      %reduce_sum3A_24 = vector.multi_reduction <add>, %get3A_23, %reduce_sum3A [0] : vector<32x512x128xi32> to vector<512x128xi32>
      %broadcast_in_dim3A = arith.constant 0 : i32
      %broadcast_in_dim3A_25 = vector.broadcast %broadcast_in_dim3A : i32 to vector<512x1xi32>
      %slice3A = vector.extract_strided_slice %reduce_sum3A_24 {offsets = [0, 0], sizes = [512, 127], strides = [1, 1]} : vector<512x128xi32> to vector<512x127xi32>
      %concatenate3A = tpu.concatenate %broadcast_in_dim3A_25, %slice3A in 1 : vector<512x1xi32>, vector<512x127xi32> -> vector<512x128xi32>
      %add3A = arith.addi %reduce_sum3A_24, %concatenate3A : vector<512x128xi32>
      %broadcast_in_dim3A_26 = arith.constant 0 : i32
      %broadcast_in_dim3A_27 = vector.broadcast %broadcast_in_dim3A_26 : i32 to vector<512x2xi32>
      %slice3A_28 = vector.extract_strided_slice %add3A {offsets = [0, 0], sizes = [512, 126], strides = [1, 1]} : vector<512x128xi32> to vector<512x126xi32>
      %concatenate3A_29 = tpu.concatenate %broadcast_in_dim3A_27, %slice3A_28 in 1 : vector<512x2xi32>, vector<512x126xi32> -> vector<512x128xi32>
      %add3A_30 = arith.addi %add3A, %concatenate3A_29 : vector<512x128xi32>
      %broadcast_in_dim3A_31 = arith.constant 0 : i32
      %broadcast_in_dim3A_32 = vector.broadcast %broadcast_in_dim3A_31 : i32 to vector<512x4xi32>
      %slice3A_33 = vector.extract_strided_slice %add3A_30 {offsets = [0, 0], sizes = [512, 124], strides = [1, 1]} : vector<512x128xi32> to vector<512x124xi32>
      %concatenate3A_34 = tpu.concatenate %broadcast_in_dim3A_32, %slice3A_33 in 1 : vector<512x4xi32>, vector<512x124xi32> -> vector<512x128xi32>
      %add3A_35 = arith.addi %add3A_30, %concatenate3A_34 : vector<512x128xi32>
      %broadcast_in_dim3A_36 = arith.constant 0 : i32
      %broadcast_in_dim3A_37 = vector.broadcast %broadcast_in_dim3A_36 : i32 to vector<512x8xi32>
      %slice3A_38 = vector.extract_strided_slice %add3A_35 {offsets = [0, 0], sizes = [512, 120], strides = [1, 1]} : vector<512x128xi32> to vector<512x120xi32>
      %concatenate3A_39 = tpu.concatenate %broadcast_in_dim3A_37, %slice3A_38 in 1 : vector<512x8xi32>, vector<512x120xi32> -> vector<512x128xi32>
      %add3A_40 = arith.addi %add3A_35, %concatenate3A_39 : vector<512x128xi32>
      %broadcast_in_dim3A_41 = arith.constant 0 : i32
      %broadcast_in_dim3A_42 = vector.broadcast %broadcast_in_dim3A_41 : i32 to vector<512x16xi32>
      %slice3A_43 = vector.extract_strided_slice %add3A_40 {offsets = [0, 0], sizes = [512, 112], strides = [1, 1]} : vector<512x128xi32> to vector<512x112xi32>
      %concatenate3A_44 = tpu.concatenate %broadcast_in_dim3A_42, %slice3A_43 in 1 : vector<512x16xi32>, vector<512x112xi32> -> vector<512x128xi32>
      %add3A_45 = arith.addi %add3A_40, %concatenate3A_44 : vector<512x128xi32>
      %broadcast_in_dim3A_46 = arith.constant 0 : i32
      %broadcast_in_dim3A_47 = vector.broadcast %broadcast_in_dim3A_46 : i32 to vector<512x32xi32>
      %slice3A_48 = vector.extract_strided_slice %add3A_45 {offsets = [0, 0], sizes = [512, 96], strides = [1, 1]} : vector<512x128xi32> to vector<512x96xi32>
      %concatenate3A_49 = tpu.concatenate %broadcast_in_dim3A_47, %slice3A_48 in 1 : vector<512x32xi32>, vector<512x96xi32> -> vector<512x128xi32>
      %add3A_50 = arith.addi %add3A_45, %concatenate3A_49 : vector<512x128xi32>
      %broadcast_in_dim3A_51 = arith.constant 0 : i32
      %broadcast_in_dim3A_52 = vector.broadcast %broadcast_in_dim3A_51 : i32 to vector<512x64xi32>
      %slice3A_53 = vector.extract_strided_slice %add3A_50 {offsets = [0, 0], sizes = [512, 64], strides = [1, 1]} : vector<512x128xi32> to vector<512x64xi32>
      %concatenate3A_54 = tpu.concatenate %broadcast_in_dim3A_52, %slice3A_53 in 1 : vector<512x64xi32>, vector<512x64xi32> -> vector<512x128xi32>
      %add3A_55 = arith.addi %add3A_50, %concatenate3A_54 : vector<512x128xi32>
      %slice3A_56 = vector.extract_strided_slice %add3A_55 {offsets = [0, 127], sizes = [512, 1], strides = [1, 1]} : vector<512x128xi32> to vector<512x1xi32>
      %broadcast_in_dim3A_57 = arith.constant 0 : i32
      %broadcast_in_dim3A_58 = vector.broadcast %broadcast_in_dim3A_57 : i32 to vector<1x1xi32>
      %slice3A_59 = vector.extract_strided_slice %slice3A_56 {offsets = [0, 0], sizes = [511, 1], strides = [1, 1]} : vector<512x1xi32> to vector<511x1xi32>
      %concatenate3A_60 = tpu.concatenate %broadcast_in_dim3A_58, %slice3A_59 in 0 : vector<1x1xi32>, vector<511x1xi32> -> vector<512x1xi32>
      %add3A_61 = arith.addi %slice3A_56, %concatenate3A_60 : vector<512x1xi32>
      %broadcast_in_dim3A_62 = arith.constant 0 : i32
      %broadcast_in_dim3A_63 = vector.broadcast %broadcast_in_dim3A_62 : i32 to vector<2x1xi32>
      %slice3A_64 = vector.extract_strided_slice %add3A_61 {offsets = [0, 0], sizes = [510, 1], strides = [1, 1]} : vector<512x1xi32> to vector<510x1xi32>
      %concatenate3A_65 = tpu.concatenate %broadcast_in_dim3A_63, %slice3A_64 in 0 : vector<2x1xi32>, vector<510x1xi32> -> vector<512x1xi32>
      %add3A_66 = arith.addi %add3A_61, %concatenate3A_65 : vector<512x1xi32>
      %broadcast_in_dim3A_67 = arith.constant 0 : i32
      %broadcast_in_dim3A_68 = vector.broadcast %broadcast_in_dim3A_67 : i32 to vector<4x1xi32>
      %slice3A_69 = vector.extract_strided_slice %add3A_66 {offsets = [0, 0], sizes = [508, 1], strides = [1, 1]} : vector<512x1xi32> to vector<508x1xi32>
      %concatenate3A_70 = tpu.concatenate %broadcast_in_dim3A_68, %slice3A_69 in 0 : vector<4x1xi32>, vector<508x1xi32> -> vector<512x1xi32>
      %add3A_71 = arith.addi %add3A_66, %concatenate3A_70 : vector<512x1xi32>
      %broadcast_in_dim3A_72 = arith.constant 0 : i32
      %broadcast_in_dim3A_73 = vector.broadcast %broadcast_in_dim3A_72 : i32 to vector<8x1xi32>
      %slice3A_74 = vector.extract_strided_slice %add3A_71 {offsets = [0, 0], sizes = [504, 1], strides = [1, 1]} : vector<512x1xi32> to vector<504x1xi32>
      %concatenate3A_75 = tpu.concatenate %broadcast_in_dim3A_73, %slice3A_74 in 0 : vector<8x1xi32>, vector<504x1xi32> -> vector<512x1xi32>
      %add3A_76 = arith.addi %add3A_71, %concatenate3A_75 : vector<512x1xi32>
      %broadcast_in_dim3A_77 = arith.constant 0 : i32
      %broadcast_in_dim3A_78 = vector.broadcast %broadcast_in_dim3A_77 : i32 to vector<16x1xi32>
      %slice3A_79 = vector.extract_strided_slice %add3A_76 {offsets = [0, 0], sizes = [496, 1], strides = [1, 1]} : vector<512x1xi32> to vector<496x1xi32>
      %concatenate3A_80 = tpu.concatenate %broadcast_in_dim3A_78, %slice3A_79 in 0 : vector<16x1xi32>, vector<496x1xi32> -> vector<512x1xi32>
      %add3A_81 = arith.addi %add3A_76, %concatenate3A_80 : vector<512x1xi32>
      %broadcast_in_dim3A_82 = arith.constant 0 : i32
      %broadcast_in_dim3A_83 = vector.broadcast %broadcast_in_dim3A_82 : i32 to vector<32x1xi32>
      %slice3A_84 = vector.extract_strided_slice %add3A_81 {offsets = [0, 0], sizes = [480, 1], strides = [1, 1]} : vector<512x1xi32> to vector<480x1xi32>
      %concatenate3A_85 = tpu.concatenate %broadcast_in_dim3A_83, %slice3A_84 in 0 : vector<32x1xi32>, vector<480x1xi32> -> vector<512x1xi32>
      %add3A_86 = arith.addi %add3A_81, %concatenate3A_85 : vector<512x1xi32>
      %broadcast_in_dim3A_87 = arith.constant 0 : i32
      %broadcast_in_dim3A_88 = vector.broadcast %broadcast_in_dim3A_87 : i32 to vector<64x1xi32>
      %slice3A_89 = vector.extract_strided_slice %add3A_86 {offsets = [0, 0], sizes = [448, 1], strides = [1, 1]} : vector<512x1xi32> to vector<448x1xi32>
      %concatenate3A_90 = tpu.concatenate %broadcast_in_dim3A_88, %slice3A_89 in 0 : vector<64x1xi32>, vector<448x1xi32> -> vector<512x1xi32>
      %add3A_91 = arith.addi %add3A_86, %concatenate3A_90 : vector<512x1xi32>
      %broadcast_in_dim3A_92 = arith.constant 0 : i32
      %broadcast_in_dim3A_93 = vector.broadcast %broadcast_in_dim3A_92 : i32 to vector<128x1xi32>
      %slice3A_94 = vector.extract_strided_slice %add3A_91 {offsets = [0, 0], sizes = [384, 1], strides = [1, 1]} : vector<512x1xi32> to vector<384x1xi32>
      %concatenate3A_95 = tpu.concatenate %broadcast_in_dim3A_93, %slice3A_94 in 0 : vector<128x1xi32>, vector<384x1xi32> -> vector<512x1xi32>
      %add3A_96 = arith.addi %add3A_91, %concatenate3A_95 : vector<512x1xi32>
      %broadcast_in_dim3A_97 = arith.constant 0 : i32
      %broadcast_in_dim3A_98 = vector.broadcast %broadcast_in_dim3A_97 : i32 to vector<256x1xi32>
      %slice3A_99 = vector.extract_strided_slice %add3A_96 {offsets = [0, 0], sizes = [256, 1], strides = [1, 1]} : vector<512x1xi32> to vector<256x1xi32>
      %concatenate3A_100 = tpu.concatenate %broadcast_in_dim3A_98, %slice3A_99 in 0 : vector<256x1xi32>, vector<256x1xi32> -> vector<512x1xi32>
      %add3A_101 = arith.addi %add3A_96, %concatenate3A_100 : vector<512x1xi32>
      %sub3A = arith.subi %add3A_101, %slice3A_56 : vector<512x1xi32>
      %add3A_102 = vector.broadcast %sub3A : vector<512x1xi32> to vector<512x128xi32>
      %add3A_103 = arith.addi %add3A_102, %add3A_55 : vector<512x128xi32>
      %get3A_104 = arith.constant 0 : index
      %get3A_105 = arith.constant 0 : index
      %get3A_106 = memref.load %arg3[%get3A_104, %get3A_105] : memref<1x1xi32, #tpu.memory_space<smem>>
      %le3A = vector.broadcast %get3A_106 : i32 to vector<512x128xi32>
      %le3A_107 = arith.cmpi sle, %add3A_103, %le3A : vector<512x128xi32>
      %convert_element_type3A_108 = arith.extui %le3A_107 : vector<512x128xi1> to vector<512x128xi32>
      %reduce_sum3A_109 = vector.shape_cast %convert_element_type3A_108 : vector<512x128xi32> to vector<1x512x128xi32>
      %reduce_sum3A_110 = arith.constant dense<0> : vector<1xi32>
      %reduce_sum3A_111 = vector.multi_reduction <add>, %reduce_sum3A_109, %reduce_sum3A_110 [1, 2] : vector<1x512x128xi32> to vector<1xi32>
      %reduce_sum3A_112 = vector.shape_cast %reduce_sum3A_111 : vector<1xi32> to vector<1x1x1xi32>
      %reduce_sum3A_113 = vector.extract %reduce_sum3A_112[0, 0, 0] : i32 from vector<1x1x1xi32>
      %get3A_114 = arith.constant 0 : index
      %get3A_115 = arith.constant 0 : index
      %get3A_116 = memref.load %arg2[%get3A_114, %get3A_115] : memref<1x16xi32, #tpu.memory_space<smem>>
      %shift_left3A = arith.constant 16 : i32
      %shift_left3A_117 = arith.shli %get3A_116, %shift_left3A : i32
      %or3A = arith.ori %shift_left3A_117, %reduce_sum3A_113 : i32
      %bitcast_convert_type3A = arith.bitcast %or3A : i32 to f32
      %get3A_118 = arith.constant 0 : index
      %get3A_119 = arith.constant 0 : index
      %get3A_120 = memref.load %arg4[%get3A_118, %get3A_119] : memref<1x1xf32, #tpu.memory_space<smem>>
      %jit3A_121 = arith.constant 1.000000e-01 : f32
      %jit3A_122 = arith.constant 1.000000e+01 : f32
      %max3A_123 = arith.maximumf %jit3A_121, %get3A_120 : f32
      %min3A_124 = arith.minimumf %jit3A_122, %max3A_123 : f32
      %mul3A_125 = arith.mulf %bitcast_convert_type3A, %min3A_124 : f32
      %div3A = arith.constant 1.270000e+02 : f32
      %div3A_126 = arith.divf %mul3A_125, %div3A : f32
      %swap3A_127 = arith.constant 0 : index
      %swap3A_128 = memref.load %arg8[%swap3A_127] : memref<2xf32, #tpu.memory_space<smem>>
      memref.store %div3A_126, %arg8[%swap3A_127] : memref<2xf32, #tpu.memory_space<smem>>
      %div3A_129 = arith.constant 1.000000e+00 : f32
      %div3A_130 = arith.divf %div3A_129, %div3A_126 : f32
      %swap3A_131 = arith.constant 1 : index
      %swap3A_132 = memref.load %arg8[%swap3A_131] : memref<2xf32, #tpu.memory_space<smem>>
      memref.store %div3A_130, %arg8[%swap3A_131] : memref<2xf32, #tpu.memory_space<smem>>
    } else {
    }
    %get3A = arith.constant 0 : index
    %get3A_4 = memref.load %arg8[%get3A] : memref<2xf32, #tpu.memory_space<smem>>
    %get3A_5 = arith.constant 1 : index
    %get3A_6 = memref.load %arg8[%get3A_5] : memref<2xf32, #tpu.memory_space<smem>>
    %get3A_7 = arith.constant 0 : index
    %get3A_8 = arith.constant 0 : index
    %get3A_9 = arith.constant 0 : index
    %get3A_10 = vector.load %arg6[%get3A_7, %get3A_8, %get3A_9] : memref<1x512x2048xf32, #tpu.memory_space<vmem>>, vector<1x512x2048xf32>
    %mul3A = vector.broadcast %get3A_6 : f32 to vector<1x512x2048xf32>
    %mul3A_11 = arith.mulf %get3A_10, %mul3A : vector<1x512x2048xf32>
    %round3A = math.roundeven %mul3A_11 : vector<1x512x2048xf32>
    %jit3A = arith.constant -1.270000e+02 : f32
    %jit3A_12 = arith.constant 1.270000e+02 : f32
    %max3A = vector.broadcast %jit3A : f32 to vector<1x512x2048xf32>
    %max3A_13 = arith.maximumf %max3A, %round3A : vector<1x512x2048xf32>
    %min3A = vector.broadcast %jit3A_12 : f32 to vector<1x512x2048xf32>
    %min3A_14 = arith.minimumf %min3A, %max3A_13 : vector<1x512x2048xf32>
    %mul3A_15 = vector.broadcast %get3A_4 : f32 to vector<1x512x2048xf32>
    %mul3A_16 = arith.mulf %min3A_14, %mul3A_15 : vector<1x512x2048xf32>
    %swap3A = arith.constant 0 : index
    %swap3A_17 = arith.constant 0 : index
    %swap3A_18 = arith.constant 0 : index
    %swap3A_19 = vector.load %arg7[%swap3A, %swap3A_17, %swap3A_18] : memref<1x512x2048xf32, #tpu.memory_space<vmem>>, vector<1x512x2048xf32>
    tpu.vector_store %arg7[%swap3A, %swap3A_17, %swap3A_18], %mul3A_16 {strides = array<i32>} : memref<1x512x2048xf32, #tpu.memory_space<vmem>>, vector<1x512x2048xf32>,
    return
  }
  func.func @transform_0(%arg0: i32, %arg1: i32) -> (i32, i32) {
    %c0_i32 = arith.constant 0 : i32
    %c0_i32_0 = arith.constant 0 : i32
    %c0_i32_1 = arith.constant 0 : i32
    return %c0_i32, %c0_i32_0 : i32, i32
  }
  func.func @transform_1(%arg0: i32, %arg1: i32) -> (i32, i32) {
    %c0_i32 = arith.constant 0 : i32
    %c0_i32_0 = arith.constant 0 : i32
    %c0_i32_1 = arith.constant 0 : i32
    return %c0_i32, %c0_i32_0 : i32, i32
  }
  func.func @transform_2(%arg0: i32, %arg1: i32) -> (i32, i32) {
    %c0_i32 = arith.constant 0 : i32
    %c0_i32_0 = arith.constant 0 : i32
    %c0_i32_1 = arith.constant 0 : i32
    return %c0_i32, %c0_i32_0 : i32, i32
  }
  func.func @transform_3(%arg0: i32, %arg1: i32) -> (i32, i32, i32) {
    %c0_i32 = arith.constant 0 : i32
    %c0_i32_0 = arith.constant 0 : i32
    %c0_i32_1 = arith.constant 0 : i32
    %c0_i32_2 = arith.constant 0 : i32
    return %c0_i32, %c0_i32_0, %c0_i32_1 : i32, i32, i32
  }
  func.func @transform_4(%arg0: i32, %arg1: i32) -> (i32, i32, i32) {
    %c0_i32 = arith.constant 0 : i32
    %c0_i32_0 = arith.constant 0 : i32
    return %arg0, %arg1, %c0_i32 : i32, i32, i32
  }
  func.func @transform_5(%arg0: i32, %arg1: i32) -> (i32, i32, i32) {
    %c0_i32 = arith.constant 0 : i32
    %c0_i32_0 = arith.constant 0 : i32
    return %arg0, %arg1, %c0_i32 : i32, i32, i32
  }
}

</mosaic_0001>

<sc_bundles>
// kernel: kernel.6.cloned.1.call-start
scs
__scs_entry_jumppad:
0x0: {  	(pc) =	sbr.rel $0x88, $3  }
0x1: {  	(tag) =	ssettag $0x0;
	lr =	simm.s32 $0x1  }
0x2: {  	[smem:$0x3F9F] =	sst lr;
	_ =	strace $0xD0000000  }
0x3: {  	_ = 	snop  }
0x4: {  	_ = 	snop  }
0x5: {  	_ = 	snop  }
0x6: {  	_ = 	snop  }
0x7: {  	_ = 	snop  }
__scs_overlays_trampoline_lowered:
0x8: {  	[smem:$0x3FAE] =	sst s0  }
0x9: {  	[smem:$0x3FAF] =	sst s1  }
0xa: {  	[smem:$0x3FB0] =	sst s2  }
0xb: {  	[smem:$0x3FB1] =	sst s3  }
0xc: {  	[smem:$0x3FB2] =	sst s4  }
0xd: {  	[smem:$0x3FB3] =	sst s5  }
0xe: {  	[smem:$0x3FB4] =	sst s6  }
0xf: {  	[smem:$0x3FB5] =	sst s7  }
0x10: {  	[smem:$0x3FB6] =	sst s8  }
0x11: {  	[smem:$0x3FB7] =	sst s9;
	s0 =	simm.s32 @!p0 $0x0  }
0x12: {  	s1 =	sld [smem:$0x3F9D];
	s0 =	simm.s32 @p0 $0x1  }
0x13: {  	[smem:$0x3FB8] =	sst s0;
	s0 =	simm.s32 @!p1 $0x0  }
0x14: {  	s2 =	sld [smem:$0x3F9C];
	s0 =	simm.s32 @p1 $0x1  }
0x15: {  	[smem:$0x3FB9] =	sst s0;
	s0 =	simm.s32 @!p2 $0x0  }
0x16: {  	s3 =	sld [smem:$0x3FDB];
	s0 =	simm.s32 @p2 $0x1  }
0x17: {  	s4 =	simm.s32 $0x1BF5;
	[smem:$0x3FBB] =	sst s0  }
0x18: {  	s0 =	sld [smem:$0x3F9E];
	_ =	swait.ge [sflag:s4], $0x0  }
0x19: {  	s7 =	sld [smem:$0x3F9F]  }
0x1a: {  	s8 =	sadd.s32 $0xFFFFE003, lr  }
0x1b: {  	s9 =	sadd.s32 $0xFFFFFEF7, lr;
	s5 =	simm.s32 $0xFFFFFFFF;
	p2 =	slt.u32 s8, $0xFFFFF086  }
0x1c: {  	p1 =	slt.u32 s9, $0xF7A;
	s5 =	simm.s32 @!p2 $0x0  }
0x1d: {  	s5 =	simm.s32 @p1 $0x1;
	p0 =	seq.s32 s7, s2  }
0x1e: {  	s7 =	smul.u32 @!p0 $0xF7A, s2;
	p2 =	seq.s32 @!p0 s5, $0x0  }
0x1f: {  	s9 =	smul.u32 $0xF7A, s1;
	s8 =	simm.s32 @!p0 $0x1BF5;
	p2 =	por !p2, p0  }
0x20: {  	[sflag:s8] =	ssyncset.s32 @!p0 $0xFFFFF086;
	s6 =	sadd.s32 @!p0 s3, s7;
	s7 =	simm.s32 @!p0 $0x108  }
0x21: {  	s3 =	sadd.s32 s3, s9;
	s6 =	sadd.s32 @!p0 $0x88, s6;
	s7 =	simm.s32 @p2 $0x1082  }
0x22: {  	[simem:s7], [sflag:s8] =	dma.local @!p0 [hbm:s6], $0xF7A  }
0x23: {  	s9 =	sor.u32 $0xD0000000, s2;
	s6 =	simm.s32 $0x108;
	_ =	swait.ge @!p0 [sflag:s8], $0x0  }
0x24: {  	s3 =	sadd.s32 $0x88, s3;
	s6 =	simm.s32 @!p1 $0x1082;
	[sflag:s4] =	ssyncset.s32 $0xFFFFF086  }
0x25: {  	[simem:s6], [sflag:s4] =	dma.local [hbm:s3], $0xF7A  }
0x26: {  	[smem:$0x3F9F] =	sst s1;
	(tag) =	ssettag s2;
	_ =	strace s9  }
0x27: {  	s1 =	sld [smem:$0x3FAF]  }
0x28: {  	s2 =	sld [smem:$0x3FB0]  }
0x29: {  	s4 =	sld [smem:$0x3FB2]  }
0x2a: {  	p0 =	seq.s32 s5, $0x0;
	s5 =	sld [smem:$0x3FB3]  }
0x2b: {  	s6 =	sld [smem:$0x3FB4]  }
0x2c: {  	s7 =	sld [smem:$0x3FB5]  }
0x2d: {  	s3 =	simm.s32 $0x108;
	s8 =	sld [smem:$0x3FB6]  }
0x2e: {  	s3 =	simm.s32 @!p0 $0x1082;
	s9 =	sld [smem:$0x3FB7]  }
0x2f: {  	lr =	sadd.s32 s0, s3;
	s0 =	sld [smem:$0x3FAE]  }
0x30: {  	s3 =	sld [smem:$0x3FB1]  }
0x31: {  	[smem:$0x3FBA] =	sst s10  }
0x32: {  	s10 =	sld [smem:$0x3FB8];
	_ =	sdelay $0x3  }
0x33: {  	p0 =	seq.s32 s10, $0x1;
	s10 =	sld [smem:$0x3FBA];
	_ =	sdelay $0x3  }
0x34: {  	[smem:$0x3FBA] =	sst s10  }
0x35: {  	s10 =	sld [smem:$0x3FB9];
	_ =	sdelay $0x3  }
0x36: {  	p1 =	seq.s32 s10, $0x1;
	s10 =	sld [smem:$0x3FBA];
	_ =	sdelay $0x3  }
0x37: {  	[smem:$0x3FBA] =	sst s10  }
0x38: {  	s10 =	sld [smem:$0x3FBB]  }
0x39: {  	_ = 	snop;
	(pc) =	sbr.ind lr, $3  }
0x3a: {  	_ = 	snop  }
0x3b: {  	_ = 	snop  }
0x3c: {  	p2 =	seq.s32 s10, $0x1;
	s10 =	sld [smem:$0x3FBA]  }
0x3d: {  	_ =	shalt  }
0x3e: {  	_ =	shalt  }
0x3f: {  	_ =	shalt  }
0x40: {  	_ =	shalt  }
0x41: {  	_ =	shalt  }
0x42: {  	_ =	shalt  }
0x43: {  	_ =	shalt  }
0x44: {  	_ =	shalt  }
0x45: {  	_ =	shalt  }
0x46: {  	_ =	shalt  }
0x47: {  	_ =	shalt  }
0x48: {  	_ =	shalt  }
0x49: {  	_ =	shalt  }
0x4a: {  	_ =	shalt  }
0x4b: {  	_ =	shalt  }
0x4c: {  	_ =	shalt  }
0x4d: {  	_ =	shalt  }
0x4e: {  	_ =	shalt  }
0x4f: {  	_ =	shalt  }
0x50: {  	_ =	shalt  }
0x51: {  	_ =	shalt  }
0x52: {  	_ =	shalt  }
0x53: {  	_ =	shalt  }
0x54: {  	_ =	shalt  }
0x55: {  	_ =	shalt  }
0x56: {  	_ =	shalt  }
0x57: {  	_ =	shalt  }
0x58: {  	_ =	shalt  }
0x59: {  	_ =	shalt  }
0x5a: {  	_ =	shalt  }
0x5b: {  	_ =	shalt  }
0x5c: {  	_ =	shalt  }
0x5d: {  	_ =	shalt  }
0x5e: {  	_ =	shalt  }
0x5f: {  	_ =	shalt  }
0x60: {  	_ =	shalt  }
0x61: {  	_ =	shalt  }
0x62: {  	_ =	shalt  }
0x63: {  	_ =	shalt  }
0x64: {  	_ =	shalt  }
0x65: {  	_ =	shalt  }
0x66: {  	_ =	shalt  }
0x67: {  	_ =	shalt  }
0x68: {  	_ =	shalt  }
0x69: {  	_ =	shalt  }
0x6a: {  	_ =	shalt  }
0x6b: {  	_ =	shalt  }
0x6c: {  	_ =	shalt  }
0x6d: {  	_ =	shalt  }
0x6e: {  	_ =	shalt  }
0x6f: {  	_ =	shalt  }
0x70: {  	_ =	shalt  }
0x71: {  	_ =	shalt  }
0x72: {  	_ =	shalt  }
0x73: {  	_ =	shalt  }
0x74: {  	_ =	shalt  }
0x75: {  	_ =	shalt  }
0x76: {  	_ =	shalt  }
0x77: {  	_ =	shalt  }
0x78: {  	_ =	shalt  }
0x79: {  	_ =	shalt  }
0x7a: {  	_ =	shalt  }
0x7b: {  	_ =	shalt  }
0x7c: {  	_ =	shalt  }
0x7d: {  	_ =	shalt  }
0x7e: {  	_ =	shalt  }
0x7f: {  	_ =	shalt  }
0x80: {  	_ =	shalt  }
0x81: {  	_ =	shalt  }
0x82: {  	_ =	shalt  }
0x83: {  	_ =	shalt  }
0x84: {  	_ =	shalt  }
0x85: {  	_ =	shalt  }
0x86: {  	_ =	shalt  }
0x87: {  	_ =	shalt  }
.Lfunc_end0:
.L_simem_size_0:
called_computation_lowered:
.L_overlay_start_0:
0x88: {  	s2 =	sld [smem:$0x3FD9]  }
0x89: {  	s3 =	sld [smem:$0x3FFE];
	_ =	sdelay $0x1  }
0x8a: {  	s1 =	srdreg.scid  }
0x8b: {  	s0 =	sand.u32 $0x1, s1  }
0x8c: {  	s18 =	sshll.u32 s0, $0xA;
	s2 =	sadd.s32 s3, s2  }
0x8d: {  	s2 =	sadd.s32 s2, s18  }
0x8e: {  	[smem:$0x3FC6] =	sst s2  }
0x8f: {  	_ = 	snop  }
0x90: {  	s2 =	sld [smem:$0x3FC9]  }
0x91: {  	s19 =	sld [smem:$0x3FD0];
	(tm) =	ssettm $0x1  }
0x92: {  	s4 =	sld [smem:$0x3FFB];
	_ =	sdelay $0x3  }
0x93: {  	_ =	strace s4  }
0x94: {  	s4 =	sld [smem:$0x3FFC];
	_ =	sdelay $0x3  }
0x95: {  	_ =	strace s4  }
0x96: {  	s4 =	sld [smem:$0x3FFD];
	_ =	sdelay $0x3  }
0x97: {  	_ =	strace s4  }
0x98: {  	_ =	strace $0x8FFFFFFF  }
0x99: {  	s20 =	sld [smem:$0x3FDB];
	_ =	sdelay $0x1  }
0x9a: {  	s5 =	simm.s32 $_scs_section_size  }
0x9b: {  	s6 =	simm.s32 $_size__tile_overlayer_lowered;
	s7 =	simm.s32 $_tile_overlayer_lowered  }
0x9c: {  	s23 =	simm.s32 $0x1BFF;
	s22 =	sshll.u32 s7, $0x1;
	s4 =	sadd.s32 s5, s20  }
0x9d: {  	s8 =	simm.s32 $0x0;
	s21 =	sshll.u32 s6, $0x1;
	s6 =	sadd.s32 s22, s4  }
0x9e: {  	[timem:s8], [sflag:s23] =	dma.local [hbm:s6], s21  }
0x9f: {  	_ =	swait.ge [sflag:s23], s21  }
0xa0: {  	s5 =	ssub.s32 $0x0, s21;
	[sflag:s23] =	ssyncset.done $0x0  }
0xa1: {  	[sflag:s23] =	ssyncadd.s32 s5;
	_ =	sdelay $0x1  }
0xa2: {  	s24 =	simm.s32 $0x1B8B  }
0xa3: {  	_ =	swait.ge [sflag:s24], $0x1  }
0xa4: {  	[sflag:s24] =	ssyncset.done $0x0  }
0xa5: {  	s25 =	simm.s32 $0x1B8E;
	[sflag:s24] =	ssyncadd.s32 $0xFFFFFFFF  }
0xa6: {  	s26 =	simm.s32 $execute0_lowered;
	[smem:$0x3FD2] =	sst s25  }
0xa7: {  	s5 =	sshll.u32 s26, $0x1;
	_ =	strace $0x80000046;
	[dreg:$0x1] =	wrdreg $0xFFFFFFFF  }
0xa8: {  	s28 =	simm.s32 $_size_execute0_lowered;
	s4 =	sadd.s32 s4, s5;
	[dreg:$0x0] =	wrdreg $0x0  }
0xa9: {  	s5 =	sshll.u32 s28, $0x1;
	[dreg:$0x2] =	wrdreg s4  }
0xaa: {  	[dreg:$0x3] =	wrdreg s5  }
0xab: {  	[dreg:$0x4] =	wrdreg $0xC0  }
0xac: {  	_ =	task [dreg:s8], $0x5FFFF  }
0xad: {  	[dreg:$0x1] =	wrdreg $0xFFFFFFFF  }
0xae: {  	[dreg:$0x0] =	wrdreg $0x60  }
0xaf: {  	[dreg:$0x2] =	wrdreg s2  }
0xb0: {  	[dreg:$0x3] =	wrdreg s19  }
0xb1: {  	[dreg:$0x4] =	wrdreg $0x9  }
0xb2: {  	_ =	task.clear_ibuf [dreg:s8], $0x5FFFF;
	_ =	strace $0x90000046  }
0xb3: {  	s29 =	simm.s32 $0x9;
	_ =	strace $0x80000048  }
0xb4: {  	_ =	swait.ge [sflag:s29], $0x1  }
0xb5: {  	[sflag:s29] =	ssyncadd.s32 $0xFFFFFFFF  }
0xb6: {  	_ =	strace $0x90000048  }
0xb7: {  	_ =	sfence  }
0xb8: {  	s30 =	sld [smem:$0x0];
	_ =	sdelay $0x2  }
0xb9: {  	s31 =	sshll.u32 s1, $0xD;
	s1 =	sshrl.u32 s1, $0x2  }
0xba: {  	s3 =	sand.u32 $0x4000, s31;
	s1 =	sadd.s32 s1, s30  }
0xbb: {  	s0 =	sor.u32 s3, s0;
	s1 =	sshll.u32 s1, $0x11  }
0xbc: {  	s0 =	sor.u32 s1, s0  }
0xbd: {  	s0 =	sadd.s32 $0x8F2B, s0  }
0xbe: {  	[sflag:s0] =	ssyncadd.remote.s32 $0x1  }
0xbf: {  	_ =	sfence.sel $0xFFFF  }
0xc0: {  	[dreg:$0x0] =	wrdreg $0xFFFFFFFF;
	(pc) =	sbr.abs _section_cstart, $3  }
0xc1: {  	[dreg:$0x1] =	wrdreg $0xFFFFFFFF  }
0xc2: {  	_ =	task.clear_ibuf [dreg:s8], $0x2FFFF;
	_ =	strace $0x9FFFFFFF  }
0xc3: {  	(tm) =	ssettm $0x7FFFFFFF  }
tec
execute0_lowered:
.L_overlay_start_1:
0x0: {  	(tag) =	ssettag $0x1  }
0x1: {  	s8 =	rddreg [dreg:$0x0]  }
0x2: {  	s6 =	rddreg [dreg:$0x1];
	s2 =	srdreg.scid  }
0x3: {  	s1 =	stileid.u32;
	s0 =	rddreg [dreg:$0x2]  }
0x4: {  	s10 =	simm.s32 $0x14000;
	s11 =	simm.s32 $0x1;
	s12 =	simm.s32 $0x2  }
0x5: {  	s13 =	simm.s32 $0x3;
	s14 =	simm.s32 $0x0;
	s3 =	sand.u32 $0x1, s2  }
0x6: {  	s4 =	sshll.u32 s1, $0x1;
	s2 =	simm.s32 $0x0;
	s5 =	ssub.s32 $0x2, s3  }
.Ltmp0:
0x7: {  	s7 =	sor.u32 s3, s4;
	[smem:$0x7FF] =	sst s2;
	(pc) =	sbr.rel .LBB2_1-.Ltmp0, $4  }
0x8: {  	s31 =	sshrl.u32 s5, $0x1;
	s4 =	sshll.u32 s7, $0x10;
	_ =	strace $0x80000047  }
0x9: {  	s9 =	ssub.s32 s5, s31;
	s3 =	sadd.s32 s8, s4;
	s4 =	sshll.u32 s7, $0x5  }
0xa: {  	s7 =	sshll.u32 s7, $0xD;
	s8 =	sadd.s32 $0x1000, s8;
	s5 =	sadd.s32 $0x800, s3  }
0xb: {  	v0 =	vimm.s32 $0x0;
	v1 =	vimm.s32 $0x1;
	s6 =	sadd.s32 s6, s7;
	s7 =	smax.u32 s9, $0x1;
	s9 =	simm.s32 $0x10000  }
.LBB2_10:
0xc: {  	s14 =	sadd.s32 $0x1, s14  }
0xd: {  	p0 =	sne.s32 s14, s7  }
.Ltmp1:
0xe: {  	_ = 	snop;
	(pc) =	sbr.rel @!p0 .LBB2_11-.Ltmp1, $4  }
0xf: {  	[hbm4b:s6+s2] =	stream.linear.scatter [tilespmem:s2], [sflag:$0x3], $0x10000, $0x38;
	[tilespmem:$0x18000] =	vst v63  }
0x10: {  	_ =	swait.ge [sflag:s13], $0x10000  }
0x11: {  	[sflag:s13] =	ssyncset.done $0x0  }
0x12: {  	[sflag:s13] =	ssyncadd.s32 $0xFFFF0000  }
.LBB2_1:
0x13: {  	s15 =	simm.s32 $0x100  }
0x14: {  	[tilespmem:s15+$0xFFFFFF00] =	vst v0  }
0x15: {  	[tilespmem:s15+$0xF0] =	vst v0  }
0x16: {  	[tilespmem:s15+$0xE0] =	vst v0  }
0x17: {  	[tilespmem:s15+$0xD0] =	vst v0  }
0x18: {  	[tilespmem:s15+$0xC0] =	vst v0  }
0x19: {  	[tilespmem:s15+$0xB0] =	vst v0  }
0x1a: {  	[tilespmem:s15+$0xA0] =	vst v0  }
0x1b: {  	[tilespmem:s15+$0x90] =	vst v0  }
0x1c: {  	[tilespmem:s15+$0x80] =	vst v0  }
0x1d: {  	[tilespmem:s15+$0x70] =	vst v0  }
0x1e: {  	[tilespmem:s15+$0x60] =	vst v0  }
0x1f: {  	[tilespmem:s15+$0x50] =	vst v0  }
0x20: {  	[tilespmem:s15+$0x40] =	vst v0  }
0x21: {  	[tilespmem:s15+$0x30] =	vst v0  }
0x22: {  	[tilespmem:s15+$0x20] =	vst v0  }
0x23: {  	[tilespmem:s15+$0x10] =	vst v0  }
0x24: {  	[tilespmem:s15+$0x0] =	vst v0  }
0x25: {  	[tilespmem:s15+$0xFFFFFFF0] =	vst v0  }
0x26: {  	[tilespmem:s15+$0xFFFFFFE0] =	vst v0  }
0x27: {  	[tilespmem:s15+$0xFFFFFFD0] =	vst v0  }
0x28: {  	[tilespmem:s15+$0xFFFFFFC0] =	vst v0  }
0x29: {  	[tilespmem:s15+$0xFFFFFFB0] =	vst v0  }
0x2a: {  	[tilespmem:s15+$0xFFFFFFA0] =	vst v0  }
0x2b: {  	[tilespmem:s15+$0xFFFFFF90] =	vst v0  }
0x2c: {  	[tilespmem:s15+$0xFFFFFF80] =	vst v0  }
0x2d: {  	[tilespmem:s15+$0xFFFFFF70] =	vst v0  }
0x2e: {  	[tilespmem:s15+$0xFFFFFF60] =	vst v0  }
0x2f: {  	[tilespmem:s15+$0xFFFFFF50] =	vst v0  }
0x30: {  	[tilespmem:s15+$0xFFFFFF40] =	vst v0  }
0x31: {  	[tilespmem:s15+$0xFFFFFF30] =	vst v0  }
0x32: {  	s16 =	simm.s32 $0x0;
	[tilespmem:s15+$0xFFFFFF20] =	vst v0  }
.LBB2_2:
0x33: {  	s16 =	sadd.s32 $0x4, s16;
	[tilespmem:s15+$0xFFFFFF10] =	vst v0;
	s15 =	sadd.s32 $0x200, s15  }
0x34: {  	[tilespmem:s15+$0xFFFFFF00] =	vst v0;
	p0 =	slt.u32 s16, $0x1FC  }
0x35: {  	[tilespmem:s15+$0xF0] =	vst v0  }
0x36: {  	[tilespmem:s15+$0xE0] =	vst v0  }
0x37: {  	[tilespmem:s15+$0xD0] =	vst v0  }
0x38: {  	[tilespmem:s15+$0xC0] =	vst v0  }
0x39: {  	[tilespmem:s15+$0xB0] =	vst v0  }
0x3a: {  	[tilespmem:s15+$0xA0] =	vst v0  }
0x3b: {  	[tilespmem:s15+$0x90] =	vst v0  }
0x3c: {  	[tilespmem:s15+$0x80] =	vst v0  }
0x3d: {  	[tilespmem:s15+$0x70] =	vst v0  }
0x3e: {  	[tilespmem:s15+$0x60] =	vst v0  }
0x3f: {  	[tilespmem:s15+$0x50] =	vst v0  }
0x40: {  	[tilespmem:s15+$0x40] =	vst v0  }
0x41: {  	[tilespmem:s15+$0x30] =	vst v0  }
0x42: {  	[tilespmem:s15+$0x20] =	vst v0  }
0x43: {  	[tilespmem:s15+$0x10] =	vst v0  }
0x44: {  	[tilespmem:s15+$0x0] =	vst v0  }
0x45: {  	[tilespmem:s15+$0xFFFFFFF0] =	vst v0  }
0x46: {  	[tilespmem:s15+$0xFFFFFFE0] =	vst v0  }
0x47: {  	[tilespmem:s15+$0xFFFFFFD0] =	vst v0  }
0x48: {  	[tilespmem:s15+$0xFFFFFFC0] =	vst v0  }
0x49: {  	[tilespmem:s15+$0xFFFFFFB0] =	vst v0  }
0x4a: {  	[tilespmem:s15+$0xFFFFFFA0] =	vst v0  }
0x4b: {  	[tilespmem:s15+$0xFFFFFF90] =	vst v0  }
0x4c: {  	[tilespmem:s15+$0xFFFFFF80] =	vst v0  }
0x4d: {  	[tilespmem:s15+$0xFFFFFF70] =	vst v0  }
.Ltmp2:
0x4e: {  	[tilespmem:s15+$0xFFFFFF60] =	vst v0;
	(pc) =	sbr.rel @p0 .LBB2_2-.Ltmp2, $4  }
0x4f: {  	[tilespmem:s15+$0xFFFFFF50] =	vst v0  }
0x50: {  	[tilespmem:s15+$0xFFFFFF40] =	vst v0  }
0x51: {  	[tilespmem:s15+$0xFFFFFF30] =	vst v0  }
0x52: {  	[tilespmem:s15+$0xFFFFFF20] =	vst v0  }
0x53: {  	[tilespmem:s15+$0xFFFFFF10] =	vst v0;
	s15 =	simm.s32 $0x0  }
0x54: {  	[tilespmem:s9], [sflag:$0x1] =	stream.linear.gather [hbm4b:s3+s15], $0x4000, $0x38;
	[tilespmem:$0x18000] =	vst v63  }
0x55: {  	s16 =	simm.s32 $0x0  }
0x56: {  	[tilespmem:s10], [sflag:$0x2] =	stream.linear.gather [hbm4b:s5+s15], $0x4000, $0x38;
	[tilespmem:$0x18000] =	vst v63  }
.LBB2_4:
0x57: {  	_ =	swait.ge [sflag:s11], $0x4000;
	s17 =	simm.s32 $0x0  }
0x58: {  	s19 =	sand.u32 $0x3800, s15;
	[sflag:s11] =	ssyncset.done $0x0;
	s18 =	sand.u32 $0x380, s17  }
0x59: {  	[sflag:s11] =	ssyncadd.s32 $0xFFFFC000;
	s18 =	sor.u32 s18, s19  }
0x5a: {  	v2 =	vld [tilespmem:s18+$0x10470]  }
0x5b: {  	v3 =	vld [tilespmem:s18+$0x10000]  }
0x5c: {  	v4 =	vld [tilespmem:s18+$0x10010]  }
0x5d: {  	v5 =	vld [tilespmem:s18+$0x10020]  }
0x5e: {  	v6 =	vld [tilespmem:s18+$0x10030]  }
0x5f: {  	v7 =	vld [tilespmem:s18+$0x10040]  }
0x60: {  	v8 =	vld [tilespmem:s18+$0x10050];
	v2 =	vshrl.u32 v2, $0x10  }
0x61: {  	v9 =	vld [tilespmem:s18+$0x10060];
	v2 =	vand.u32 $0x7FFF, v2  }
0x62: {  	v10 =	vld [tilespmem:s18+$0x10070]  }
0x63: {  	v11 =	vld [tilespmem:s18+$0x10400]  }
0x64: {  	v12 =	vld [tilespmem:s18+$0x10410]  }
0x65: {  	v13 =	vld [tilespmem:s18+$0x10430];
	v3 =	vshrl.u32 v3, $0x10  }
0x66: {  	[tilespmem:v2+s2+$0x0] =	vst.idx.add.s32.msk $0xffff, v1;
	v2 =	vand.u32 $0x7FFF, v3;
	v3 =	vshrl.u32 v4, $0x10  }
0x67: {  	v5 =	vshrl.u32 v5, $0x10;
	v4 =	vld [tilespmem:s18+$0x10420];
	v3 =	vand.u32 $0x7FFF, v3  }
0x68: {  	v14 =	vld [tilespmem:s18+$0x10440];
	v6 =	vshrl.u32 v6, $0x10;
	v5 =	vand.u32 $0x7FFF, v5  }
0x69: {  	v15 =	vld [tilespmem:s18+$0x10450];
	v7 =	vshrl.u32 v7, $0x10;
	v6 =	vand.u32 $0x7FFF, v6  }
0x6a: {  	v16 =	vld [tilespmem:s18+$0x10460];
	v9 =	vshrl.u32 v9, $0x10;
	v7 =	vand.u32 $0x7FFF, v7  }
0x6b: {  	v61 =	vshrl.u32 v10, $0x10;
	[tilespmem:v2+s2+$0x0] =	vst.idx.add.s32.msk $0xffff, v1;
	v2 =	vand.u32 $0x7FFF, v9  }
0x6c: {  	v4 =	vshrl.u32 v4, $0x10;
	[tilespmem:v3+s2+$0x0] =	vst.idx.add.s32.msk $0xffff, v1;
	v3 =	vand.u32 $0x7FFF, v61  }
0x6d: {  	v62 =	vshrl.u32 v11, $0x10;
	[tilespmem:v5+s2+$0x0] =	vst.idx.add.s32.msk $0xffff, v1;
	v4 =	vand.u32 $0x7FFF, v4  }
0x6e: {  	v8 =	vshrl.u32 v8, $0x10;
	v5 =	vand.u32 $0x7FFF, v62;
	[tilespmem:v6+s2+$0x0] =	vst.idx.add.s32.msk $0xffff, v1  }
0x6f: {  	v63 =	vshrl.u32 v12, $0x10;
	v8 =	vand.u32 $0x7FFF, v8;
	[tilespmem:v7+s2+$0x0] =	vst.idx.add.s32.msk $0xffff, v1  }
0x70: {  	v6 =	vand.u32 $0x7FFF, v63;
	v7 =	vshrl.u32 v13, $0x10;
	[tilespmem:v2+s2+$0x0] =	vst.idx.add.s32.msk $0xffff, v1  }
0x71: {  	v7 =	vand.u32 $0x7FFF, v7;
	v2 =	vshrl.u32 v14, $0x10;
	[tilespmem:v3+s2+$0x0] =	vst.idx.add.s32.msk $0xffff, v1  }
0x72: {  	v3 =	vshrl.u32 v15, $0x10;
	[tilespmem:v4+s2+$0x0] =	vst.idx.add.s32.msk $0xffff, v1;
	v4 =	vand.u32 $0x7FFF, v2  }
0x73: {  	[tilespmem:v5+s2+$0x0] =	vst.idx.add.s32.msk $0xffff, v1;
	v5 =	vshrl.u32 v16, $0x10;
	v2 =	vand.u32 $0x7FFF, v3  }
0x74: {  	[tilespmem:v8+s2+$0x0] =	vst.idx.add.s32.msk $0xffff, v1;
	v3 =	vand.u32 $0x7FFF, v5  }
0x75: {  	[tilespmem:v6+s2+$0x0] =	vst.idx.add.s32.msk $0xffff, v1  }
0x76: {  	s18 =	simm.s32 $0x0;
	[tilespmem:v7+s2+$0x0] =	vst.idx.add.s32.msk $0xffff, v1  }
.LBB2_5:
0x77: {  	s17 =	sadd.s32 $0x10, s17;
	[tilespmem:v4+s2+$0x0] =	vst.idx.add.s32.msk $0xffff, v1;
	s18 =	sadd.s32 $0x800, s18  }
0x78: {  	s19 =	sand.u32 $0x380, s17;
	s20 =	sand.u32 $0x3800, s18;
	p0 =	slt.u32 s17, $0x3F0;
	[tilespmem:v2+s2+$0x0] =	vst.idx.add.s32.msk $0xffff, v1  }
0x79: {  	s19 =	sor.u32 s19, s20;
	[tilespmem:v3+s2+$0x0] =	vst.idx.add.s32.msk $0xffff, v1  }
0x7a: {  	v2 =	vld [tilespmem:s19+$0x10470]  }
0x7b: {  	v3 =	vld [tilespmem:s19+$0x10000]  }
0x7c: {  	v4 =	vld [tilespmem:s19+$0x10010]  }
0x7d: {  	v5 =	vld [tilespmem:s19+$0x10020]  }
0x7e: {  	v6 =	vld [tilespmem:s19+$0x10030]  }
0x7f: {  	v7 =	vld [tilespmem:s19+$0x10040];
	v2 =	vshrl.u32 v2, $0x10  }
0x80: {  	v3 =	vshrl.u32 v3, $0x10;
	v8 =	vld [tilespmem:s19+$0x10050];
	v2 =	vand.u32 $0x7FFF, v2  }
0x81: {  	v3 =	vand.u32 $0x7FFF, v3;
	v4 =	vshrl.u32 v4, $0x10;
	v9 =	vld [tilespmem:s19+$0x10060]  }
0x82: {  	v4 =	vand.u32 $0x7FFF, v4;
	v5 =	vshrl.u32 v5, $0x10;
	v10 =	vld [tilespmem:s19+$0x10070]  }
0x83: {  	v5 =	vand.u32 $0x7FFF, v5;
	v6 =	vshrl.u32 v6, $0x10;
	v11 =	vld [tilespmem:s19+$0x10400]  }
0x84: {  	v6 =	vand.u32 $0x7FFF, v6;
	v7 =	vshrl.u32 v7, $0x10;
	v12 =	vld [tilespmem:s19+$0x10410]  }
0x85: {  	v7 =	vand.u32 $0x7FFF, v7;
	v8 =	vshrl.u32 v8, $0x10;
	[tilespmem:v2+s2+$0x0] =	vst.idx.add.s32.msk $0xffff, v1  }
0x86: {  	v8 =	vand.u32 $0x7FFF, v8;
	v2 =	vshrl.u32 v9, $0x10;
	v9 =	vld [tilespmem:s19+$0x10420]  }
0x87: {  	v13 =	vand.u32 $0x7FFF, v2;
	v2 =	vshrl.u32 v10, $0x10;
	v10 =	vld [tilespmem:s19+$0x10430]  }
0x88: {  	v14 =	vand.u32 $0x7FFF, v2;
	v2 =	vshrl.u32 v11, $0x10;
	v11 =	vld [tilespmem:s19+$0x10440]  }
0x89: {  	v15 =	vand.u32 $0x7FFF, v2;
	v2 =	vshrl.u32 v12, $0x10;
	v12 =	vld [tilespmem:s19+$0x10450]  }
0x8a: {  	v16 =	vand.u32 $0x7FFF, v2;
	v17 =	vld [tilespmem:s19+$0x10460]  }
0x8b: {  	[tilespmem:v3+s2+$0x0] =	vst.idx.add.s32.msk $0xffff, v1;
	v2 =	vshrl.u32 v9, $0x10  }
0x8c: {  	[tilespmem:v4+s2+$0x0] =	vst.idx.add.s32.msk $0xffff, v1;
	v9 =	vand.u32 $0x7FFF, v2;
	v2 =	vshrl.u32 v10, $0x10  }
0x8d: {  	[tilespmem:v5+s2+$0x0] =	vst.idx.add.s32.msk $0xffff, v1;
	v5 =	vand.u32 $0x7FFF, v2;
	v2 =	vshrl.u32 v11, $0x10  }
0x8e: {  	[tilespmem:v6+s2+$0x0] =	vst.idx.add.s32.msk $0xffff, v1;
	v4 =	vand.u32 $0x7FFF, v2;
	v2 =	vshrl.u32 v12, $0x10  }
0x8f: {  	[tilespmem:v7+s2+$0x0] =	vst.idx.add.s32.msk $0xffff, v1;
	v2 =	vand.u32 $0x7FFF, v2;
	v3 =	vshrl.u32 v17, $0x10  }
0x90: {  	[tilespmem:v8+s2+$0x0] =	vst.idx.add.s32.msk $0xffff, v1;
	v3 =	vand.u32 $0x7FFF, v3  }
0x91: {  	[tilespmem:v13+s2+$0x0] =	vst.idx.add.s32.msk $0xffff, v1  }
.Ltmp3:
0x92: {  	[tilespmem:v14+s2+$0x0] =	vst.idx.add.s32.msk $0xffff, v1;
	(pc) =	sbr.rel @p0 .LBB2_5-.Ltmp3, $4  }
0x93: {  	[tilespmem:v15+s2+$0x0] =	vst.idx.add.s32.msk $0xffff, v1  }
0x94: {  	[tilespmem:v16+s2+$0x0] =	vst.idx.add.s32.msk $0xffff, v1  }
0x95: {  	[tilespmem:v9+s2+$0x0] =	vst.idx.add.s32.msk $0xffff, v1  }
0x96: {  	[tilespmem:v5+s2+$0x0] =	vst.idx.add.s32.msk $0xffff, v1  }
0x97: {  	_ =	sdelay $0x2  }
0x98: {  	s17 =	sshll.u32 s16, $0x1;
	p0 =	seq.s32 s16, $0xF  }
0x99: {  	[tilespmem:v4+s2+$0x0] =	vst.idx.add.s32.msk $0xffff, v1;
	s18 =	sadd.s32 @!p0 s4, s17  }
0x9a: {  	[tilespmem:v2+s2+$0x0] =	vst.idx.add.s32.msk $0xffff, v1;
	s18 =	sshll.u32 @!p0 s18, $0xB  }
0x9b: {  	[tilespmem:v3+s2+$0x0] =	vst.idx.add.s32.msk $0xffff, v1;
	s19 =	simm.s32 @!p0 $0x0;
	s20 =	simm.s32 @!p0 $0x10000;
	s18 =	sadd.s32 @!p0 s8, s18  }
0x9c: {  	[tilespmem:s20], [sflag:$0x1] =	stream.linear.gather @!p0 [hbm4b:s18+s19], $0x4000, $0x38;
	[tilespmem:$0x18000] =	vst v63  }
0x9d: {  	s18 =	simm.s32 $0x0;
	s19 =	simm.s32 $0x0;
	_ =	swait.ge [sflag:s12], $0x4000  }
0x9e: {  	s31 =	sand.u32 $0x380, s19;
	s21 =	sand.u32 $0x3800, s18;
	[sflag:s12] =	ssyncset.done $0x0  }
0x9f: {  	s20 =	sor.u32 s31, s21;
	[sflag:s12] =	ssyncadd.s32 $0xFFFFC000  }
0xa0: {  	v2 =	vld [tilespmem:s20+$0x14470]  }
0xa1: {  	v3 =	vld [tilespmem:s20+$0x14000]  }
0xa2: {  	v4 =	vld [tilespmem:s20+$0x14010]  }
0xa3: {  	v5 =	vld [tilespmem:s20+$0x14020]  }
0xa4: {  	v6 =	vld [tilespmem:s20+$0x14030]  }
0xa5: {  	v7 =	vld [tilespmem:s20+$0x14040]  }
0xa6: {  	v8 =	vld [tilespmem:s20+$0x14050];
	v2 =	vshrl.u32 v2, $0x10  }
0xa7: {  	v9 =	vld [tilespmem:s20+$0x14060];
	v2 =	vand.u32 $0x7FFF, v2  }
0xa8: {  	v10 =	vld [tilespmem:s20+$0x14070]  }
0xa9: {  	v11 =	vld [tilespmem:s20+$0x14400]  }
0xaa: {  	v12 =	vld [tilespmem:s20+$0x14410]  }
0xab: {  	v13 =	vld [tilespmem:s20+$0x14430];
	v3 =	vshrl.u32 v3, $0x10  }
0xac: {  	[tilespmem:v2+s2+$0x0] =	vst.idx.add.s32.msk $0xffff, v1;
	v2 =	vand.u32 $0x7FFF, v3;
	v3 =	vshrl.u32 v4, $0x10  }
0xad: {  	v5 =	vshrl.u32 v5, $0x10;
	v4 =	vld [tilespmem:s20+$0x14420];
	v3 =	vand.u32 $0x7FFF, v3  }
0xae: {  	v14 =	vld [tilespmem:s20+$0x14440];
	v6 =	vshrl.u32 v6, $0x10;
	v5 =	vand.u32 $0x7FFF, v5  }
0xaf: {  	v15 =	vld [tilespmem:s20+$0x14450];
	v7 =	vshrl.u32 v7, $0x10;
	v6 =	vand.u32 $0x7FFF, v6  }
0xb0: {  	v16 =	vld [tilespmem:s20+$0x14460];
	v9 =	vshrl.u32 v9, $0x10;
	v7 =	vand.u32 $0x7FFF, v7  }
0xb1: {  	v61 =	vshrl.u32 v10, $0x10;
	[tilespmem:v2+s2+$0x0] =	vst.idx.add.s32.msk $0xffff, v1;
	v2 =	vand.u32 $0x7FFF, v9  }
0xb2: {  	v4 =	vshrl.u32 v4, $0x10;
	[tilespmem:v3+s2+$0x0] =	vst.idx.add.s32.msk $0xffff, v1;
	v3 =	vand.u32 $0x7FFF, v61  }
0xb3: {  	v62 =	vshrl.u32 v11, $0x10;
	[tilespmem:v5+s2+$0x0] =	vst.idx.add.s32.msk $0xffff, v1;
	v4 =	vand.u32 $0x7FFF, v4  }
0xb4: {  	v8 =	vshrl.u32 v8, $0x10;
	v5 =	vand.u32 $0x7FFF, v62;
	[tilespmem:v6+s2+$0x0] =	vst.idx.add.s32.msk $0xffff, v1  }
0xb5: {  	v63 =	vshrl.u32 v12, $0x10;
	v8 =	vand.u32 $0x7FFF, v8;
	[tilespmem:v7+s2+$0x0] =	vst.idx.add.s32.msk $0xffff, v1  }
0xb6: {  	v6 =	vand.u32 $0x7FFF, v63;
	v7 =	vshrl.u32 v13, $0x10;
	[tilespmem:v2+s2+$0x0] =	vst.idx.add.s32.msk $0xffff, v1  }
0xb7: {  	v7 =	vand.u32 $0x7FFF, v7;
	v2 =	vshrl.u32 v14, $0x10;
	[tilespmem:v3+s2+$0x0] =	vst.idx.add.s32.msk $0xffff, v1  }
0xb8: {  	v3 =	vshrl.u32 v15, $0x10;
	[tilespmem:v4+s2+$0x0] =	vst.idx.add.s32.msk $0xffff, v1;
	v4 =	vand.u32 $0x7FFF, v2  }
0xb9: {  	[tilespmem:v5+s2+$0x0] =	vst.idx.add.s32.msk $0xffff, v1;
	v5 =	vshrl.u32 v16, $0x10;
	v2 =	vand.u32 $0x7FFF, v3  }
0xba: {  	[tilespmem:v8+s2+$0x0] =	vst.idx.add.s32.msk $0xffff, v1;
	v3 =	vand.u32 $0x7FFF, v5  }
0xbb: {  	[tilespmem:v6+s2+$0x0] =	vst.idx.add.s32.msk $0xffff, v1  }
0xbc: {  	[tilespmem:v7+s2+$0x0] =	vst.idx.add.s32.msk $0xffff, v1  }
.LBB2_7:
0xbd: {  	s19 =	sadd.s32 $0x10, s19;
	[tilespmem:v4+s2+$0x0] =	vst.idx.add.s32.msk $0xffff, v1;
	s18 =	sadd.s32 $0x800, s18  }
0xbe: {  	s20 =	sand.u32 $0x380, s19;
	s21 =	sand.u32 $0x3800, s18;
	p1 =	slt.u32 s19, $0x3F0;
	[tilespmem:v2+s2+$0x0] =	vst.idx.add.s32.msk $0xffff, v1  }
0xbf: {  	s20 =	sor.u32 s20, s21;
	[tilespmem:v3+s2+$0x0] =	vst.idx.add.s32.msk $0xffff, v1  }
0xc0: {  	v2 =	vld [tilespmem:s20+$0x14470]  }
0xc1: {  	v3 =	vld [tilespmem:s20+$0x14000]  }
0xc2: {  	v4 =	vld [tilespmem:s20+$0x14010]  }
0xc3: {  	v5 =	vld [tilespmem:s20+$0x14020]  }
0xc4: {  	v6 =	vld [tilespmem:s20+$0x14030]  }
0xc5: {  	v7 =	vld [tilespmem:s20+$0x14040];
	v2 =	vshrl.u32 v2, $0x10  }
0xc6: {  	v3 =	vshrl.u32 v3, $0x10;
	v8 =	vld [tilespmem:s20+$0x14050];
	v2 =	vand.u32 $0x7FFF, v2  }
0xc7: {  	v3 =	vand.u32 $0x7FFF, v3;
	v4 =	vshrl.u32 v4, $0x10;
	v9 =	vld [tilespmem:s20+$0x14060]  }
0xc8: {  	v4 =	vand.u32 $0x7FFF, v4;
	v5 =	vshrl.u32 v5, $0x10;
	v10 =	vld [tilespmem:s20+$0x14070]  }
0xc9: {  	v5 =	vand.u32 $0x7FFF, v5;
	v6 =	vshrl.u32 v6, $0x10;
	v11 =	vld [tilespmem:s20+$0x14400]  }
0xca: {  	v6 =	vand.u32 $0x7FFF, v6;
	v7 =	vshrl.u32 v7, $0x10;
	v12 =	vld [tilespmem:s20+$0x14410]  }
0xcb: {  	v7 =	vand.u32 $0x7FFF, v7;
	v8 =	vshrl.u32 v8, $0x10;
	[tilespmem:v2+s2+$0x0] =	vst.idx.add.s32.msk $0xffff, v1  }
0xcc: {  	v8 =	vand.u32 $0x7FFF, v8;
	v2 =	vshrl.u32 v9, $0x10;
	v9 =	vld [tilespmem:s20+$0x14420]  }
0xcd: {  	v13 =	vand.u32 $0x7FFF, v2;
	v2 =	vshrl.u32 v10, $0x10;
	v10 =	vld [tilespmem:s20+$0x14430]  }
0xce: {  	v14 =	vand.u32 $0x7FFF, v2;
	v2 =	vshrl.u32 v11, $0x10;
	v11 =	vld [tilespmem:s20+$0x14440]  }
0xcf: {  	v15 =	vand.u32 $0x7FFF, v2;
	v2 =	vshrl.u32 v12, $0x10;
	v12 =	vld [tilespmem:s20+$0x14450]  }
0xd0: {  	v16 =	vand.u32 $0x7FFF, v2;
	v17 =	vld [tilespmem:s20+$0x14460]  }
0xd1: {  	[tilespmem:v3+s2+$0x0] =	vst.idx.add.s32.msk $0xffff, v1;
	v2 =	vshrl.u32 v9, $0x10  }
0xd2: {  	[tilespmem:v4+s2+$0x0] =	vst.idx.add.s32.msk $0xffff, v1;
	v9 =	vand.u32 $0x7FFF, v2;
	v2 =	vshrl.u32 v10, $0x10  }
0xd3: {  	[tilespmem:v5+s2+$0x0] =	vst.idx.add.s32.msk $0xffff, v1;
	v5 =	vand.u32 $0x7FFF, v2;
	v2 =	vshrl.u32 v11, $0x10  }
0xd4: {  	[tilespmem:v6+s2+$0x0] =	vst.idx.add.s32.msk $0xffff, v1;
	v4 =	vand.u32 $0x7FFF, v2;
	v2 =	vshrl.u32 v12, $0x10  }
0xd5: {  	[tilespmem:v7+s2+$0x0] =	vst.idx.add.s32.msk $0xffff, v1;
	v2 =	vand.u32 $0x7FFF, v2;
	v3 =	vshrl.u32 v17, $0x10  }
0xd6: {  	[tilespmem:v8+s2+$0x0] =	vst.idx.add.s32.msk $0xffff, v1;
	v3 =	vand.u32 $0x7FFF, v3  }
0xd7: {  	[tilespmem:v13+s2+$0x0] =	vst.idx.add.s32.msk $0xffff, v1  }
.Ltmp4:
0xd8: {  	[tilespmem:v14+s2+$0x0] =	vst.idx.add.s32.msk $0xffff, v1;
	(pc) =	sbr.rel @p1 .LBB2_7-.Ltmp4, $4  }
0xd9: {  	[tilespmem:v15+s2+$0x0] =	vst.idx.add.s32.msk $0xffff, v1  }
0xda: {  	[tilespmem:v16+s2+$0x0] =	vst.idx.add.s32.msk $0xffff, v1  }
0xdb: {  	[tilespmem:v9+s2+$0x0] =	vst.idx.add.s32.msk $0xffff, v1  }
0xdc: {  	[tilespmem:v5+s2+$0x0] =	vst.idx.add.s32.msk $0xffff, v1  }
0xdd: {  	_ =	sdelay $0x1  }
.Ltmp5:
0xde: {  	_ = 	snop;
	(pc) =	sbr.rel @p0 .LBB2_10-.Ltmp5, $4  }
0xdf: {  	_ = 	snop  }
0xe0: {  	[tilespmem:v4+s2+$0x0] =	vst.idx.add.s32.msk $0xffff, v1  }
0xe1: {  	[tilespmem:v2+s2+$0x0] =	vst.idx.add.s32.msk $0xffff, v1  }
0xe2: {  	[tilespmem:v3+s2+$0x0] =	vst.idx.add.s32.msk $0xffff, v1  }
.Ltmp6:
0xe3: {  	s17 =	sadd.s32 s17, s4;
	(pc) =	sbr.rel .LBB2_4-.Ltmp6, $4  }
0xe4: {  	s17 =	sshll.u32 s17, $0xB  }
0xe5: {  	s17 =	sadd.s32 s8, s17  }
0xe6: {  	s16 =	sadd.s32 $0x1, s16;
	s17 =	sadd.s32 $0x800, s17  }
0xe7: {  	[tilespmem:s10], [sflag:$0x2] =	stream.linear.gather [hbm4b:s17+s2], $0x4000, $0x38;
	[tilespmem:$0x18000] =	vst v63  }
.LBB2_11:
0xe8: {  	_ =	sfence.sel $0x180000  }
0xe9: {  	[bflag:$0x0] =	sbarrier.arrive $0xFFFF  }
0xea: {  	p0 =	sne.s32 s1, $0x0;
	_ =	strace $0x90000047  }
0xeb: {  	s0 =	sadd.s32 @!p0 $0x100000, s0;
	[bflag:$0x2] =	sbarrier.arrive $0xFFFF  }
0xec: {  	[sflag:s0] =	ssyncadd.tile.s32 @!p0 $0x1;
	_ =	shalt  }
.Lfunc_end2:
_tile_overlayer_lowered:
.L_overlay_start_2:
0xed: {  	(tag) =	ssettag $0x2  }
0xee: {  	s0 =	rddreg [dreg:$0x0];
	s2 =	stileid.u32  }
0xef: {  	s1 =	rddreg [dreg:$0x1];
	p0 =	sne.s32 s2, $0x0  }
0xf0: {  	s3 =	rddreg [dreg:$0x2];
	[bflag:$0x3] =	sbarrier.arrive $0xFFFF;
	s2 =	simm.s32 @!p0 $0x1C03  }
0xf1: {  	[timem:s3], [sflag:s2] =	dma.local @!p0 [hbm:s0], s1  }
0xf2: {  	s0 =	simm.s32 @!p0 $0x3  }
0xf3: {  	_ =	swait.ge @!p0 [sflag:s0], s1  }
0xf4: {  	s1 =	ssub.s32 @!p0 $0x0, s1;
	[sflag:s0] =	ssyncset.done @!p0 $0x0  }
0xf5: {  	[sflag:s0] =	ssyncadd.s32 @!p0 s1  }
0xf6: {  	[bflag:$0x3] =	sbarrier.arrive $0xFFFF  }
0xf7: {  	_ =	shalt  }

// kernel: kernel.9.cloned.1.call-start
scs
__scs_entry_jumppad:
0x0: {  	(pc) =	sbr.rel $0x88, $3  }
0x1: {  	(tag) =	ssettag $0x0;
	lr =	simm.s32 $0x1  }
0x2: {  	[smem:$0x3F9F] =	sst lr;
	_ =	strace $0xD0000000  }
0x3: {  	_ = 	snop  }
0x4: {  	_ = 	snop  }
0x5: {  	_ = 	snop  }
0x6: {  	_ = 	snop  }
0x7: {  	_ = 	snop  }
__scs_overlays_trampoline_lowered:
0x8: {  	[smem:$0x3FAE] =	sst s0  }
0x9: {  	[smem:$0x3FAF] =	sst s1  }
0xa: {  	[smem:$0x3FB0] =	sst s2  }
0xb: {  	[smem:$0x3FB1] =	sst s3  }
0xc: {  	[smem:$0x3FB2] =	sst s4  }
0xd: {  	[smem:$0x3FB3] =	sst s5  }
0xe: {  	[smem:$0x3FB4] =	sst s6  }
0xf: {  	[smem:$0x3FB5] =	sst s7  }
0x10: {  	[smem:$0x3FB6] =	sst s8  }
0x11: {  	[smem:$0x3FB7] =	sst s9;
	s0 =	simm.s32 @!p0 $0x0  }
0x12: {  	s1 =	sld [smem:$0x3F9D];
	s0 =	simm.s32 @p0 $0x1  }
0x13: {  	[smem:$0x3FB8] =	sst s0;
	s0 =	simm.s32 @!p1 $0x0  }
0x14: {  	s2 =	sld [smem:$0x3F9C];
	s0 =	simm.s32 @p1 $0x1  }
0x15: {  	[smem:$0x3FB9] =	sst s0;
	s0 =	simm.s32 @!p2 $0x0  }
0x16: {  	s3 =	sld [smem:$0x3FDB];
	s0 =	simm.s32 @p2 $0x1  }
0x17: {  	s4 =	simm.s32 $0x1BF5;
	[smem:$0x3FBB] =	sst s0  }
0x18: {  	s0 =	sld [smem:$0x3F9E];
	_ =	swait.ge [sflag:s4], $0x0  }
0x19: {  	s7 =	sld [smem:$0x3F9F]  }
0x1a: {  	s8 =	sadd.s32 $0xFFFFE003, lr  }
0x1b: {  	s9 =	sadd.s32 $0xFFFFFEF7, lr;
	s5 =	simm.s32 $0xFFFFFFFF;
	p2 =	slt.u32 s8, $0xFFFFF086  }
0x1c: {  	p1 =	slt.u32 s9, $0xF7A;
	s5 =	simm.s32 @!p2 $0x0  }
0x1d: {  	s5 =	simm.s32 @p1 $0x1;
	p0 =	seq.s32 s7, s2  }
0x1e: {  	s7 =	smul.u32 @!p0 $0xF7A, s2;
	p2 =	seq.s32 @!p0 s5, $0x0  }
0x1f: {  	s9 =	smul.u32 $0xF7A, s1;
	s8 =	simm.s32 @!p0 $0x1BF5;
	p2 =	por !p2, p0  }
0x20: {  	[sflag:s8] =	ssyncset.s32 @!p0 $0xFFFFF086;
	s6 =	sadd.s32 @!p0 s3, s7;
	s7 =	simm.s32 @!p0 $0x108  }
0x21: {  	s3 =	sadd.s32 s3, s9;
	s6 =	sadd.s32 @!p0 $0x88, s6;
	s7 =	simm.s32 @p2 $0x1082  }
0x22: {  	[simem:s7], [sflag:s8] =	dma.local @!p0 [hbm:s6], $0xF7A  }
0x23: {  	s9 =	sor.u32 $0xD0000000, s2;
	s6 =	simm.s32 $0x108;
	_ =	swait.ge @!p0 [sflag:s8], $0x0  }
0x24: {  	s3 =	sadd.s32 $0x88, s3;
	s6 =	simm.s32 @!p1 $0x1082;
	[sflag:s4] =	ssyncset.s32 $0xFFFFF086  }
0x25: {  	[simem:s6], [sflag:s4] =	dma.local [hbm:s3], $0xF7A  }
0x26: {  	[smem:$0x3F9F] =	sst s1;
	(tag) =	ssettag s2;
	_ =	strace s9  }
0x27: {  	s1 =	sld [smem:$0x3FAF]  }
0x28: {  	s2 =	sld [smem:$0x3FB0]  }
0x29: {  	s4 =	sld [smem:$0x3FB2]  }
0x2a: {  	p0 =	seq.s32 s5, $0x0;
	s5 =	sld [smem:$0x3FB3]  }
0x2b: {  	s6 =	sld [smem:$0x3FB4]  }
0x2c: {  	s7 =	sld [smem:$0x3FB5]  }
0x2d: {  	s3 =	simm.s32 $0x108;
	s8 =	sld [smem:$0x3FB6]  }
0x2e: {  	s3 =	simm.s32 @!p0 $0x1082;
	s9 =	sld [smem:$0x3FB7]  }
0x2f: {  	lr =	sadd.s32 s0, s3;
	s0 =	sld [smem:$0x3FAE]  }
0x30: {  	s3 =	sld [smem:$0x3FB1]  }
0x31: {  	[smem:$0x3FBA] =	sst s10  }
0x32: {  	s10 =	sld [smem:$0x3FB8];
	_ =	sdelay $0x3  }
0x33: {  	p0 =	seq.s32 s10, $0x1;
	s10 =	sld [smem:$0x3FBA];
	_ =	sdelay $0x3  }
0x34: {  	[smem:$0x3FBA] =	sst s10  }
0x35: {  	s10 =	sld [smem:$0x3FB9];
	_ =	sdelay $0x3  }
0x36: {  	p1 =	seq.s32 s10, $0x1;
	s10 =	sld [smem:$0x3FBA];
	_ =	sdelay $0x3  }
0x37: {  	[smem:$0x3FBA] =	sst s10  }
0x38: {  	s10 =	sld [smem:$0x3FBB]  }
0x39: {  	_ = 	snop;
	(pc) =	sbr.ind lr, $3  }
0x3a: {  	_ = 	snop  }
0x3b: {  	_ = 	snop  }
0x3c: {  	p2 =	seq.s32 s10, $0x1;
	s10 =	sld [smem:$0x3FBA]  }
0x3d: {  	_ =	shalt  }
0x3e: {  	_ =	shalt  }
0x3f: {  	_ =	shalt  }
0x40: {  	_ =	shalt  }
0x41: {  	_ =	shalt  }
0x42: {  	_ =	shalt  }
0x43: {  	_ =	shalt  }
0x44: {  	_ =	shalt  }
0x45: {  	_ =	shalt  }
0x46: {  	_ =	shalt  }
0x47: {  	_ =	shalt  }
0x48: {  	_ =	shalt  }
0x49: {  	_ =	shalt  }
0x4a: {  	_ =	shalt  }
0x4b: {  	_ =	shalt  }
0x4c: {  	_ =	shalt  }
0x4d: {  	_ =	shalt  }
0x4e: {  	_ =	shalt  }
0x4f: {  	_ =	shalt  }
0x50: {  	_ =	shalt  }
0x51: {  	_ =	shalt  }
0x52: {  	_ =	shalt  }
0x53: {  	_ =	shalt  }
0x54: {  	_ =	shalt  }
0x55: {  	_ =	shalt  }
0x56: {  	_ =	shalt  }
0x57: {  	_ =	shalt  }
0x58: {  	_ =	shalt  }
0x59: {  	_ =	shalt  }
0x5a: {  	_ =	shalt  }
0x5b: {  	_ =	shalt  }
0x5c: {  	_ =	shalt  }
0x5d: {  	_ =	shalt  }
0x5e: {  	_ =	shalt  }
0x5f: {  	_ =	shalt  }
0x60: {  	_ =	shalt  }
0x61: {  	_ =	shalt  }
0x62: {  	_ =	shalt  }
0x63: {  	_ =	shalt  }
0x64: {  	_ =	shalt  }
0x65: {  	_ =	shalt  }
0x66: {  	_ =	shalt  }
0x67: {  	_ =	shalt  }
0x68: {  	_ =	shalt  }
0x69: {  	_ =	shalt  }
0x6a: {  	_ =	shalt  }
0x6b: {  	_ =	shalt  }
0x6c: {  	_ =	shalt  }
0x6d: {  	_ =	shalt  }
0x6e: {  	_ =	shalt  }
0x6f: {  	_ =	shalt  }
0x70: {  	_ =	shalt  }
0x71: {  	_ =	shalt  }
0x72: {  	_ =	shalt  }
0x73: {  	_ =	shalt  }
0x74: {  	_ =	shalt  }
0x75: {  	_ =	shalt  }
0x76: {  	_ =	shalt  }
0x77: {  	_ =	shalt  }
0x78: {  	_ =	shalt  }
0x79: {  	_ =	shalt  }
0x7a: {  	_ =	shalt  }
0x7b: {  	_ =	shalt  }
0x7c: {  	_ =	shalt  }
0x7d: {  	_ =	shalt  }
0x7e: {  	_ =	shalt  }
0x7f: {  	_ =	shalt  }
0x80: {  	_ =	shalt  }
0x81: {  	_ =	shalt  }
0x82: {  	_ =	shalt  }
0x83: {  	_ =	shalt  }
0x84: {  	_ =	shalt  }
0x85: {  	_ =	shalt  }
0x86: {  	_ =	shalt  }
0x87: {  	_ =	shalt  }
.Lfunc_end0:
.L_simem_size_0:
called_computation.1_lowered:
.L_overlay_start_0:
0x88: {  	s2 =	sld [smem:$0x3FD9]  }
0x89: {  	s3 =	sld [smem:$0x3FFE];
	_ =	sdelay $0x1  }
0x8a: {  	s1 =	srdreg.scid  }
0x8b: {  	s0 =	sand.u32 $0x1, s1  }
0x8c: {  	s17 =	sshll.u32 s0, $0xA;
	s2 =	sadd.s32 s3, s2  }
0x8d: {  	s2 =	sadd.s32 s2, s17  }
0x8e: {  	[smem:$0x3FC6] =	sst s2  }
0x8f: {  	_ = 	snop  }
0x90: {  	s2 =	sld [smem:$0x3FC9]  }
0x91: {  	s18 =	sld [smem:$0x3FD0];
	(tm) =	ssettm $0x1  }
0x92: {  	s4 =	sld [smem:$0x3FFB];
	_ =	sdelay $0x3  }
0x93: {  	_ =	strace s4  }
0x94: {  	s4 =	sld [smem:$0x3FFC];
	_ =	sdelay $0x3  }
0x95: {  	_ =	strace s4  }
0x96: {  	s4 =	sld [smem:$0x3FFD];
	_ =	sdelay $0x3  }
0x97: {  	_ =	strace s4  }
0x98: {  	_ =	strace $0x8FFFFFFF  }
0x99: {  	s19 =	sld [smem:$0x3FDB];
	_ =	sdelay $0x1  }
0x9a: {  	s5 =	simm.s32 $_scs_section_size  }
0x9b: {  	s6 =	simm.s32 $_size__tile_overlayer_lowered;
	s7 =	simm.s32 $_tile_overlayer_lowered  }
0x9c: {  	s22 =	simm.s32 $0x1BFF;
	s21 =	sshll.u32 s7, $0x1;
	s4 =	sadd.s32 s5, s19  }
0x9d: {  	s8 =	simm.s32 $0x0;
	s20 =	sshll.u32 s6, $0x1;
	s6 =	sadd.s32 s21, s4  }
0x9e: {  	[timem:s8], [sflag:s22] =	dma.local [hbm:s6], s20  }
0x9f: {  	_ =	swait.ge [sflag:s22], s20  }
0xa0: {  	s5 =	ssub.s32 $0x0, s20;
	[sflag:s22] =	ssyncset.done $0x0  }
0xa1: {  	[sflag:s22] =	ssyncadd.s32 s5;
	_ =	sdelay $0x1  }
0xa2: {  	s23 =	simm.s32 $0x1B8B  }
0xa3: {  	_ =	swait.ge [sflag:s23], $0x1  }
0xa4: {  	[sflag:s23] =	ssyncset.done $0x0  }
0xa5: {  	s25 =	simm.s32 $0x1B8E;
	s24 =	sld [smem:$0x3FFE];
	[sflag:s23] =	ssyncadd.s32 $0xFFFFFFFF  }
0xa6: {  	s26 =	simm.s32 $execute0_lowered;
	[smem:$0x3FD2] =	sst s25  }
0xa7: {  	s6 =	sshll.u32 s26, $0x1;
	_ =	strace $0x80000049;
	[dreg:$0x1] =	wrdreg $0xFFFFFFFF  }
0xa8: {  	s28 =	simm.s32 $_size_execute0_lowered;
	s4 =	sadd.s32 s4, s6;
	[dreg:$0x0] =	wrdreg $0x0  }
0xa9: {  	s6 =	sshll.u32 s28, $0x1;
	[dreg:$0x2] =	wrdreg s4  }
0xaa: {  	[dreg:$0x3] =	wrdreg s6  }
0xab: {  	[dreg:$0x4] =	wrdreg $0xC0  }
0xac: {  	_ =	task [dreg:s8], $0x5FFFF  }
0xad: {  	[dreg:$0x1] =	wrdreg $0xFFFFFFFF  }
0xae: {  	[dreg:$0x0] =	wrdreg $0x60  }
0xaf: {  	[dreg:$0x2] =	wrdreg s2  }
0xb0: {  	[dreg:$0x3] =	wrdreg s24  }
0xb1: {  	[dreg:$0x4] =	wrdreg s18  }
0xb2: {  	[dreg:$0x5] =	wrdreg $0x9  }
0xb3: {  	_ =	task.clear_ibuf [dreg:s8], $0x6FFFF;
	_ =	strace $0x90000049  }
0xb4: {  	s29 =	simm.s32 $0x9;
	_ =	strace $0x8000004B  }
0xb5: {  	_ =	swait.ge [sflag:s29], $0x1  }
0xb6: {  	[sflag:s29] =	ssyncadd.s32 $0xFFFFFFFF  }
0xb7: {  	_ =	strace $0x9000004B  }
0xb8: {  	_ =	sfence  }
0xb9: {  	s30 =	sld [smem:$0x0];
	_ =	sdelay $0x2  }
0xba: {  	s31 =	sshll.u32 s1, $0xD;
	s1 =	sshrl.u32 s1, $0x2  }
0xbb: {  	s3 =	sand.u32 $0x4000, s31;
	s1 =	sadd.s32 s1, s30  }
0xbc: {  	s0 =	sor.u32 s3, s0;
	s1 =	sshll.u32 s1, $0x11  }
0xbd: {  	s0 =	sor.u32 s1, s0  }
0xbe: {  	s0 =	sadd.s32 $0x8F2B, s0  }
0xbf: {  	[sflag:s0] =	ssyncadd.remote.s32 $0x1  }
0xc0: {  	_ =	sfence.sel $0xFFFF  }
0xc1: {  	[dreg:$0x0] =	wrdreg $0xFFFFFFFF;
	(pc) =	sbr.abs _section_cstart, $3  }
0xc2: {  	[dreg:$0x1] =	wrdreg $0xFFFFFFFF  }
0xc3: {  	_ =	task.clear_ibuf [dreg:s8], $0x2FFFF;
	_ =	strace $0x9FFFFFFF  }
0xc4: {  	(tm) =	ssettm $0x7FFFFFFF  }
0xc5: {  	_ =	shalt  }
tec
execute0_lowered:
.L_overlay_start_1:
0x0: {  	(tag) =	ssettag $0x1  }
0x1: {  	s9 =	rddreg [dreg:$0x0]  }
0x2: {  	s3 =	rddreg [dreg:$0x1]  }
0x3: {  	s7 =	rddreg [dreg:$0x2]  }
0x4: {  	s0 =	rddreg [dreg:$0x3];
	s2 =	simm.s32 $0x0  }
0x5: {  	s4 =	srdreg.scid;
	s1 =	stileid.u32;
	s11 =	simm.s32 $0x3  }
0x6: {  	s12 =	simm.s32 $0x10000;
	s13 =	simm.s32 $0x14000;
	s14 =	simm.s32 $0x1  }
0x7: {  	s15 =	simm.s32 $0x2;
	s16 =	simm.s32 $0x0;
	[smem:$0x7FF] =	sst s2  }
0x8: {  	s4 =	sand.u32 $0x1, s4;
	s5 =	sshll.u32 s1, $0x1;
	s3 =	sadd.s32 $0x1400, s3  }
.Ltmp0:
0x9: {  	s6 =	ssub.s32 $0x2, s4;
	s5 =	sor.u32 s4, s5;
	(pc) =	sbr.rel .LBB2_1-.Ltmp0, $4  }
0xa: {  	_ =	strace $0x8000004A;
	s30 =	sshrl.u32 s6, $0x1;
	s8 =	sshll.u32 s5, $0x10  }
0xb: {  	s31 =	sshll.u32 s5, $0xD;
	s5 =	sshll.u32 s5, $0x5;
	s10 =	ssub.s32 s6, s30  }
0xc: {  	s4 =	sadd.s32 s9, s8;
	s7 =	sadd.s32 s7, s31;
	s9 =	sadd.s32 $0x1000, s9  }
0xd: {  	v0 =	vimm.s32 $0x0;
	v1 =	vimm.s32 $0x1;
	s6 =	sadd.s32 $0x800, s4;
	s8 =	smax.u32 s10, $0x1;
	s10 =	simm.s32 $0x18000  }
.LBB2_10:
0xe: {  	s16 =	sadd.s32 $0x1, s16  }
0xf: {  	p0 =	sne.s32 s16, s8  }
.Ltmp1:
0x10: {  	_ = 	snop;
	(pc) =	sbr.rel @!p0 .LBB2_11-.Ltmp1, $4  }
0x11: {  	[hbm4b:s7+s2] =	stream.linear.scatter [tilespmem:s2], [sflag:$0x3], $0x10000, $0x38;
	[tilespmem:$0x18080] =	vst v63  }
0x12: {  	_ =	swait.ge [sflag:s11], $0x10000  }
0x13: {  	[sflag:s11] =	ssyncset.done $0x0  }
0x14: {  	[sflag:s11] =	ssyncadd.s32 $0xFFFF0000  }
.LBB2_1:
0x15: {  	s17 =	simm.s32 $0x100  }
0x16: {  	[tilespmem:s17+$0xFFFFFF00] =	vst v0  }
0x17: {  	[tilespmem:s17+$0xF0] =	vst v0  }
0x18: {  	[tilespmem:s17+$0xE0] =	vst v0  }
0x19: {  	[tilespmem:s17+$0xD0] =	vst v0  }
0x1a: {  	[tilespmem:s17+$0xC0] =	vst v0  }
0x1b: {  	[tilespmem:s17+$0xB0] =	vst v0  }
0x1c: {  	[tilespmem:s17+$0xA0] =	vst v0  }
0x1d: {  	[tilespmem:s17+$0x90] =	vst v0  }
0x1e: {  	[tilespmem:s17+$0x80] =	vst v0  }
0x1f: {  	[tilespmem:s17+$0x70] =	vst v0  }
0x20: {  	[tilespmem:s17+$0x60] =	vst v0  }
0x21: {  	[tilespmem:s17+$0x50] =	vst v0  }
0x22: {  	[tilespmem:s17+$0x40] =	vst v0  }
0x23: {  	[tilespmem:s17+$0x30] =	vst v0  }
0x24: {  	[tilespmem:s17+$0x20] =	vst v0  }
0x25: {  	[tilespmem:s17+$0x10] =	vst v0  }
0x26: {  	[tilespmem:s17+$0x0] =	vst v0  }
0x27: {  	[tilespmem:s17+$0xFFFFFFF0] =	vst v0  }
0x28: {  	[tilespmem:s17+$0xFFFFFFE0] =	vst v0  }
0x29: {  	[tilespmem:s17+$0xFFFFFFD0] =	vst v0  }
0x2a: {  	[tilespmem:s17+$0xFFFFFFC0] =	vst v0  }
0x2b: {  	[tilespmem:s17+$0xFFFFFFB0] =	vst v0  }
0x2c: {  	[tilespmem:s17+$0xFFFFFFA0] =	vst v0  }
0x2d: {  	[tilespmem:s17+$0xFFFFFF90] =	vst v0  }
0x2e: {  	[tilespmem:s17+$0xFFFFFF80] =	vst v0  }
0x2f: {  	[tilespmem:s17+$0xFFFFFF70] =	vst v0  }
0x30: {  	[tilespmem:s17+$0xFFFFFF60] =	vst v0  }
0x31: {  	[tilespmem:s17+$0xFFFFFF50] =	vst v0  }
0x32: {  	[tilespmem:s17+$0xFFFFFF40] =	vst v0  }
0x33: {  	[tilespmem:s17+$0xFFFFFF30] =	vst v0  }
0x34: {  	s18 =	simm.s32 $0x0;
	[tilespmem:s17+$0xFFFFFF20] =	vst v0  }
.LBB2_2:
0x35: {  	s18 =	sadd.s32 $0x4, s18;
	[tilespmem:s17+$0xFFFFFF10] =	vst v0;
	s17 =	sadd.s32 $0x200, s17  }
0x36: {  	[tilespmem:s17+$0xFFFFFF00] =	vst v0;
	p0 =	slt.u32 s18, $0x1FC  }
0x37: {  	[tilespmem:s17+$0xF0] =	vst v0  }
0x38: {  	[tilespmem:s17+$0xE0] =	vst v0  }
0x39: {  	[tilespmem:s17+$0xD0] =	vst v0  }
0x3a: {  	[tilespmem:s17+$0xC0] =	vst v0  }
0x3b: {  	[tilespmem:s17+$0xB0] =	vst v0  }
0x3c: {  	[tilespmem:s17+$0xA0] =	vst v0  }
0x3d: {  	[tilespmem:s17+$0x90] =	vst v0  }
0x3e: {  	[tilespmem:s17+$0x80] =	vst v0  }
0x3f: {  	[tilespmem:s17+$0x70] =	vst v0  }
0x40: {  	[tilespmem:s17+$0x60] =	vst v0  }
0x41: {  	[tilespmem:s17+$0x50] =	vst v0  }
0x42: {  	[tilespmem:s17+$0x40] =	vst v0  }
0x43: {  	[tilespmem:s17+$0x30] =	vst v0  }
0x44: {  	[tilespmem:s17+$0x20] =	vst v0  }
0x45: {  	[tilespmem:s17+$0x10] =	vst v0  }
0x46: {  	[tilespmem:s17+$0x0] =	vst v0  }
0x47: {  	[tilespmem:s17+$0xFFFFFFF0] =	vst v0  }
0x48: {  	[tilespmem:s17+$0xFFFFFFE0] =	vst v0  }
0x49: {  	[tilespmem:s17+$0xFFFFFFD0] =	vst v0  }
0x4a: {  	[tilespmem:s17+$0xFFFFFFC0] =	vst v0  }
0x4b: {  	[tilespmem:s17+$0xFFFFFFB0] =	vst v0  }
0x4c: {  	[tilespmem:s17+$0xFFFFFFA0] =	vst v0  }
0x4d: {  	[tilespmem:s17+$0xFFFFFF90] =	vst v0  }
0x4e: {  	[tilespmem:s17+$0xFFFFFF80] =	vst v0  }
0x4f: {  	[tilespmem:s17+$0xFFFFFF70] =	vst v0  }
.Ltmp2:
0x50: {  	[tilespmem:s17+$0xFFFFFF60] =	vst v0;
	(pc) =	sbr.rel @p0 .LBB2_2-.Ltmp2, $4  }
0x51: {  	[tilespmem:s17+$0xFFFFFF50] =	vst v0  }
0x52: {  	[tilespmem:s17+$0xFFFFFF40] =	vst v0  }
0x53: {  	[tilespmem:s17+$0xFFFFFF30] =	vst v0  }
0x54: {  	[tilespmem:s17+$0xFFFFFF20] =	vst v0  }
0x55: {  	[tilespmem:s17+$0xFFFFFF10] =	vst v0;
	s17 =	simm.s32 $0x0  }
0x56: {  	[tilespmem:s10], [sflag:$0x3] =	stream.linear.gather [hbm4b:s3+s17], $0x80, $0x38;
	[tilespmem:$0x18080] =	vst v63  }
0x57: {  	_ =	swait.ge [sflag:s11], $0x80  }
0x58: {  	[sflag:s11] =	ssyncset.done $0x0  }
0x59: {  	[sflag:s11] =	ssyncadd.s32 $0xFFFFFF80  }
0x5a: {  	v2 =	vld [tilespmem:$0x18000];
	_ =	sdelay $0x2  }
0x5b: {  	[tilespmem:s12], [sflag:$0x1] =	stream.linear.gather [hbm4b:s4+s17], $0x4000, $0x38;
	[tilespmem:$0x18080] =	vst v63  }
0x5c: {  	s18 =	simm.s32 $0x0  }
0x5d: {  	[tilespmem:s13], [sflag:$0x2] =	stream.linear.gather [hbm4b:s6+s17], $0x4000, $0x38;
	v2 =	vshll.u32 v2, $0x10;
	[tilespmem:$0x18080] =	vst v63  }
.LBB2_4:
0x5e: {  	_ =	swait.ge [sflag:s14], $0x4000;
	s19 =	simm.s32 $0x0  }
0x5f: {  	s21 =	sand.u32 $0x3800, s17;
	[sflag:s14] =	ssyncset.done $0x0;
	s20 =	sand.u32 $0x380, s19  }
0x60: {  	[sflag:s14] =	ssyncadd.s32 $0xFFFFC000;
	s20 =	sor.u32 s20, s21  }
0x61: {  	v3 =	vld [tilespmem:s20+$0x10470]  }
0x62: {  	v4 =	vld [tilespmem:s20+$0x10000]  }
0x63: {  	v5 =	vld [tilespmem:s20+$0x10010]  }
0x64: {  	v6 =	vld [tilespmem:s20+$0x10020]  }
0x65: {  	v7 =	vld [tilespmem:s20+$0x10030]  }
0x66: {  	v8 =	vld [tilespmem:s20+$0x10040];
	v9 =	vand.u32 $0x7FFF0000, v3  }
0x67: {  	v10 =	vld [tilespmem:s20+$0x10050];
	vm0 =	veq.s32 v9, v2  }
0x68: {  	v58 =	vld [tilespmem:s20+$0x10060];
	v3 =	vand.u32 $0xFFFF, v3  }
0x69: {  	v11 =	vld [tilespmem:s20+$0x10070]  }
0x6a: {  	v12 =	vld [tilespmem:s20+$0x10400]  }
0x6b: {  	v14 =	vld [tilespmem:s20+$0x10410];
	v13 =	vand.u32 $0x7FFF0000, v4;
	v59 =	vand.u32 $0x7FFF0000, v5  }
0x6c: {  	v15 =	vld [tilespmem:s20+$0x10420];
	v4 =	vand.u32 $0xFFFF, v4;
	v60 =	vand.u32 $0x7FFF0000, v6;
	vm1 =	veq.s32 v13, v2  }
0x6d: {  	vm2 =	veq.s32 v59, v2;
	[tilespmem:v3+s2+$0x0] =	vst.idx.add.s32.msk vm0, v1;
	v3 =	vand.u32 $0xFFFF, v5;
	v5 =	vand.u32 $0x7FFF0000, v7  }
0x6e: {  	v61 =	vld [tilespmem:s20+$0x10430];
	vm0 =	veq.s32 v60, v2;
	vm3 =	veq.s32 v5, v2;
	v5 =	vand.u32 $0x7FFF0000, v8  }
0x6f: {  	v16 =	vld [tilespmem:s20+$0x10440];
	v6 =	vand.u32 $0xFFFF, v6;
	vm4 =	veq.s32 v5, v2;
	v5 =	vand.u32 $0x7FFF0000, v10  }
0x70: {  	v17 =	vld [tilespmem:s20+$0x10450];
	v7 =	vand.u32 $0xFFFF, v7;
	vm5 =	veq.s32 v5, v2;
	v5 =	vand.u32 $0x7FFF0000, v58  }
0x71: {  	v18 =	vld [tilespmem:s20+$0x10460];
	v8 =	vand.u32 $0xFFFF, v8;
	vm6 =	veq.s32 v5, v2;
	v5 =	vand.u32 $0x7FFF0000, v11  }
0x72: {  	[tilespmem:v4+s2+$0x0] =	vst.idx.add.s32.msk vm1, v1;
	v4 =	vand.u32 $0xFFFF, v58;
	vm1 =	veq.s32 v5, v2;
	v5 =	vand.u32 $0x7FFF0000, v12  }
0x73: {  	[tilespmem:v3+s2+$0x0] =	vst.idx.add.s32.msk vm2, v1;
	v3 =	vand.u32 $0xFFFF, v11;
	vm2 =	veq.s32 v5, v2  }
0x74: {  	v5 =	vand.u32 $0x7FFF0000, v14;
	[tilespmem:v6+s2+$0x0] =	vst.idx.add.s32.msk vm0, v1;
	v6 =	vand.u32 $0xFFFF, v12  }
0x75: {  	v10 =	vand.u32 $0xFFFF, v10;
	vm7 =	veq.s32 v5, v2;
	v5 =	vand.u32 $0x7FFF0000, v15;
	[tilespmem:v7+s2+$0x0] =	vst.idx.add.s32.msk vm3, v1  }
0x76: {  	v7 =	vand.u32 $0xFFFF, v14;
	vm3 =	veq.s32 v5, v2;
	v5 =	vand.u32 $0x7FFF0000, v61;
	[tilespmem:v8+s2+$0x0] =	vst.idx.add.s32.msk vm4, v1  }
0x77: {  	v62 =	vand.u32 $0xFFFF, v15;
	vm15 =	veq.s32 v5, v2;
	[tilespmem:v4+s2+$0x0] =	vst.idx.add.s32.msk vm6, v1;
	v4 =	vand.u32 $0x7FFF0000, v16  }
0x78: {  	v63 =	vand.u32 $0xFFFF, v61;
	v5 =	vand.u32 $0x7FFF0000, v17;
	[tilespmem:v3+s2+$0x0] =	vst.idx.add.s32.msk vm1, v1;
	vm0 =	veq.s32 v4, v2  }
0x79: {  	v3 =	vand.u32 $0xFFFF, v16;
	vm1 =	veq.s32 v5, v2;
	[tilespmem:v6+s2+$0x0] =	vst.idx.add.s32.msk vm2, v1;
	v6 =	vand.u32 $0x7FFF0000, v18  }
0x7a: {  	[tilespmem:v10+s2+$0x0] =	vst.idx.add.s32.msk vm5, v1;
	v4 =	vand.u32 $0xFFFF, v17;
	vm2 =	veq.s32 v6, v2  }
0x7b: {  	v5 =	vand.u32 $0xFFFF, v18;
	[tilespmem:v7+s2+$0x0] =	vst.idx.add.s32.msk vm7, v1  }
0x7c: {  	[tilespmem:v62+s2+$0x0] =	vst.idx.add.s32.msk vm3, v1  }
0x7d: {  	s20 =	simm.s32 $0x0;
	[tilespmem:v63+s2+$0x0] =	vst.idx.add.s32.msk vm15, v1  }
.LBB2_5:
0x7e: {  	s19 =	sadd.s32 $0x10, s19;
	[tilespmem:v3+s2+$0x0] =	vst.idx.add.s32.msk vm0, v1;
	s20 =	sadd.s32 $0x800, s20  }
0x7f: {  	s21 =	sand.u32 $0x380, s19;
	s22 =	sand.u32 $0x3800, s20;
	p0 =	slt.u32 s19, $0x3F0;
	[tilespmem:v4+s2+$0x0] =	vst.idx.add.s32.msk vm1, v1  }
0x80: {  	s21 =	sor.u32 s21, s22;
	[tilespmem:v5+s2+$0x0] =	vst.idx.add.s32.msk vm2, v1  }
0x81: {  	v3 =	vld [tilespmem:s21+$0x10470]  }
0x82: {  	v4 =	vld [tilespmem:s21+$0x10000]  }
0x83: {  	v5 =	vld [tilespmem:s21+$0x10010]  }
0x84: {  	v6 =	vld [tilespmem:s21+$0x10020]  }
0x85: {  	v7 =	vld [tilespmem:s21+$0x10030]  }
0x86: {  	v8 =	vld [tilespmem:s21+$0x10040];
	v9 =	vand.u32 $0x7FFF0000, v3  }
0x87: {  	v10 =	vand.u32 $0x7FFF0000, v4;
	v4 =	vand.u32 $0xFFFF, v4;
	v11 =	vld [tilespmem:s21+$0x10050];
	vm6 =	veq.s32 v9, v2  }
0x88: {  	v3 =	vand.u32 $0xFFFF, v3;
	vm0 =	veq.s32 v10, v2;
	v9 =	vand.u32 $0x7FFF0000, v5;
	v10 =	vld [tilespmem:s21+$0x10060]  }
0x89: {  	v5 =	vand.u32 $0xFFFF, v5;
	vm1 =	veq.s32 v9, v2;
	v9 =	vand.u32 $0x7FFF0000, v6;
	v12 =	vld [tilespmem:s21+$0x10070]  }
0x8a: {  	v6 =	vand.u32 $0xFFFF, v6;
	vm2 =	veq.s32 v9, v2;
	v9 =	vand.u32 $0x7FFF0000, v7;
	v13 =	vld [tilespmem:s21+$0x10400]  }
0x8b: {  	v7 =	vand.u32 $0xFFFF, v7;
	vm3 =	veq.s32 v9, v2;
	v9 =	vand.u32 $0x7FFF0000, v8;
	v14 =	vld [tilespmem:s21+$0x10410]  }
0x8c: {  	v8 =	vand.u32 $0xFFFF, v8;
	vm4 =	veq.s32 v9, v2;
	v9 =	vand.u32 $0x7FFF0000, v11;
	v15 =	vld [tilespmem:s21+$0x10420]  }
0x8d: {  	vm5 =	veq.s32 v9, v2;
	v9 =	vand.u32 $0xFFFF, v11;
	v11 =	vand.u32 $0x7FFF0000, v10;
	[tilespmem:v3+s2+$0x0] =	vst.idx.add.s32.msk vm6, v1  }
0x8e: {  	v10 =	vand.u32 $0xFFFF, v10;
	vm6 =	veq.s32 v11, v2;
	v3 =	vand.u32 $0x7FFF0000, v12;
	v11 =	vld [tilespmem:s21+$0x10430]  }
0x8f: {  	v12 =	vand.u32 $0xFFFF, v12;
	vm7 =	veq.s32 v3, v2;
	v3 =	vand.u32 $0x7FFF0000, v13;
	v16 =	vld [tilespmem:s21+$0x10440]  }
0x90: {  	v13 =	vand.u32 $0xFFFF, v13;
	vm8 =	veq.s32 v3, v2;
	v3 =	vand.u32 $0x7FFF0000, v14;
	v17 =	vld [tilespmem:s21+$0x10450]  }
0x91: {  	v14 =	vand.u32 $0xFFFF, v14;
	vm9 =	veq.s32 v3, v2;
	v3 =	vand.u32 $0x7FFF0000, v15;
	v18 =	vld [tilespmem:s21+$0x10460]  }
0x92: {  	v15 =	vand.u32 $0xFFFF, v15;
	[tilespmem:v4+s2+$0x0] =	vst.idx.add.s32.msk vm0, v1;
	vm10 =	veq.s32 v3, v2  }
0x93: {  	[tilespmem:v5+s2+$0x0] =	vst.idx.add.s32.msk vm1, v1;
	v3 =	vand.u32 $0x7FFF0000, v11;
	v11 =	vand.u32 $0xFFFF, v11  }
0x94: {  	[tilespmem:v6+s2+$0x0] =	vst.idx.add.s32.msk vm2, v1;
	vm11 =	veq.s32 v3, v2;
	v4 =	vand.u32 $0x7FFF0000, v16;
	v3 =	vand.u32 $0xFFFF, v16  }
0x95: {  	[tilespmem:v7+s2+$0x0] =	vst.idx.add.s32.msk vm3, v1;
	vm0 =	veq.s32 v4, v2;
	v5 =	vand.u32 $0x7FFF0000, v17;
	v4 =	vand.u32 $0xFFFF, v17  }
0x96: {  	[tilespmem:v8+s2+$0x0] =	vst.idx.add.s32.msk vm4, v1;
	vm1 =	veq.s32 v5, v2;
	v6 =	vand.u32 $0x7FFF0000, v18;
	v5 =	vand.u32 $0xFFFF, v18  }
0x97: {  	[tilespmem:v9+s2+$0x0] =	vst.idx.add.s32.msk vm5, v1;
	vm2 =	veq.s32 v6, v2  }
0x98: {  	[tilespmem:v10+s2+$0x0] =	vst.idx.add.s32.msk vm6, v1  }
.Ltmp3:
0x99: {  	[tilespmem:v12+s2+$0x0] =	vst.idx.add.s32.msk vm7, v1;
	(pc) =	sbr.rel @p0 .LBB2_5-.Ltmp3, $4  }
0x9a: {  	[tilespmem:v13+s2+$0x0] =	vst.idx.add.s32.msk vm8, v1  }
0x9b: {  	[tilespmem:v14+s2+$0x0] =	vst.idx.add.s32.msk vm9, v1  }
0x9c: {  	[tilespmem:v15+s2+$0x0] =	vst.idx.add.s32.msk vm10, v1  }
0x9d: {  	[tilespmem:v11+s2+$0x0] =	vst.idx.add.s32.msk vm11, v1  }
0x9e: {  	_ =	sdelay $0x3  }
0x9f: {  	s19 =	sshll.u32 s18, $0x1;
	p0 =	seq.s32 s18, $0xF  }
0xa0: {  	[tilespmem:v3+s2+$0x0] =	vst.idx.add.s32.msk vm0, v1;
	s20 =	sadd.s32 @!p0 s5, s19  }
0xa1: {  	[tilespmem:v4+s2+$0x0] =	vst.idx.add.s32.msk vm1, v1;
	s20 =	sshll.u32 @!p0 s20, $0xB  }
0xa2: {  	[tilespmem:v5+s2+$0x0] =	vst.idx.add.s32.msk vm2, v1;
	s21 =	simm.s32 @!p0 $0x0;
	s22 =	simm.s32 @!p0 $0x10000;
	s20 =	sadd.s32 @!p0 s9, s20  }
0xa3: {  	[tilespmem:s22], [sflag:$0x1] =	stream.linear.gather @!p0 [hbm4b:s20+s21], $0x4000, $0x38;
	[tilespmem:$0x18080] =	vst v63  }
0xa4: {  	s20 =	simm.s32 $0x0;
	s21 =	simm.s32 $0x0;
	_ =	swait.ge [sflag:s15], $0x4000  }
0xa5: {  	s31 =	sand.u32 $0x380, s21;
	s23 =	sand.u32 $0x3800, s20;
	[sflag:s15] =	ssyncset.done $0x0  }
0xa6: {  	s22 =	sor.u32 s31, s23;
	[sflag:s15] =	ssyncadd.s32 $0xFFFFC000  }
0xa7: {  	v3 =	vld [tilespmem:s22+$0x14470]  }
0xa8: {  	v4 =	vld [tilespmem:s22+$0x14000]  }
0xa9: {  	v5 =	vld [tilespmem:s22+$0x14010]  }
0xaa: {  	v6 =	vld [tilespmem:s22+$0x14020]  }
0xab: {  	v7 =	vld [tilespmem:s22+$0x14030]  }
0xac: {  	v8 =	vld [tilespmem:s22+$0x14040];
	v9 =	vand.u32 $0x7FFF0000, v3  }
0xad: {  	v10 =	vld [tilespmem:s22+$0x14050];
	vm0 =	veq.s32 v9, v2  }
0xae: {  	v58 =	vld [tilespmem:s22+$0x14060];
	v3 =	vand.u32 $0xFFFF, v3  }
0xaf: {  	v11 =	vld [tilespmem:s22+$0x14070]  }
0xb0: {  	v12 =	vld [tilespmem:s22+$0x14400]  }
0xb1: {  	v14 =	vld [tilespmem:s22+$0x14410];
	v13 =	vand.u32 $0x7FFF0000, v4;
	v59 =	vand.u32 $0x7FFF0000, v5  }
0xb2: {  	v15 =	vld [tilespmem:s22+$0x14420];
	v4 =	vand.u32 $0xFFFF, v4;
	v60 =	vand.u32 $0x7FFF0000, v6;
	vm1 =	veq.s32 v13, v2  }
0xb3: {  	vm2 =	veq.s32 v59, v2;
	[tilespmem:v3+s2+$0x0] =	vst.idx.add.s32.msk vm0, v1;
	v3 =	vand.u32 $0xFFFF, v5;
	v5 =	vand.u32 $0x7FFF0000, v7  }
0xb4: {  	v61 =	vld [tilespmem:s22+$0x14430];
	vm0 =	veq.s32 v60, v2;
	vm3 =	veq.s32 v5, v2;
	v5 =	vand.u32 $0x7FFF0000, v8  }
0xb5: {  	v16 =	vld [tilespmem:s22+$0x14440];
	v6 =	vand.u32 $0xFFFF, v6;
	vm4 =	veq.s32 v5, v2;
	v5 =	vand.u32 $0x7FFF0000, v10  }
0xb6: {  	v17 =	vld [tilespmem:s22+$0x14450];
	v7 =	vand.u32 $0xFFFF, v7;
	vm5 =	veq.s32 v5, v2;
	v5 =	vand.u32 $0x7FFF0000, v58  }
0xb7: {  	v18 =	vld [tilespmem:s22+$0x14460];
	v8 =	vand.u32 $0xFFFF, v8;
	vm6 =	veq.s32 v5, v2;
	v5 =	vand.u32 $0x7FFF0000, v11  }
0xb8: {  	[tilespmem:v4+s2+$0x0] =	vst.idx.add.s32.msk vm1, v1;
	v4 =	vand.u32 $0xFFFF, v58;
	vm1 =	veq.s32 v5, v2;
	v5 =	vand.u32 $0x7FFF0000, v12  }
0xb9: {  	[tilespmem:v3+s2+$0x0] =	vst.idx.add.s32.msk vm2, v1;
	v3 =	vand.u32 $0xFFFF, v11;
	vm2 =	veq.s32 v5, v2  }
0xba: {  	v5 =	vand.u32 $0x7FFF0000, v14;
	[tilespmem:v6+s2+$0x0] =	vst.idx.add.s32.msk vm0, v1;
	v6 =	vand.u32 $0xFFFF, v12  }
0xbb: {  	v10 =	vand.u32 $0xFFFF, v10;
	vm7 =	veq.s32 v5, v2;
	v5 =	vand.u32 $0x7FFF0000, v15;
	[tilespmem:v7+s2+$0x0] =	vst.idx.add.s32.msk vm3, v1  }
0xbc: {  	v7 =	vand.u32 $0xFFFF, v14;
	vm3 =	veq.s32 v5, v2;
	v5 =	vand.u32 $0x7FFF0000, v61;
	[tilespmem:v8+s2+$0x0] =	vst.idx.add.s32.msk vm4, v1  }
0xbd: {  	v62 =	vand.u32 $0xFFFF, v15;
	vm15 =	veq.s32 v5, v2;
	[tilespmem:v4+s2+$0x0] =	vst.idx.add.s32.msk vm6, v1;
	v4 =	vand.u32 $0x7FFF0000, v16  }
0xbe: {  	v63 =	vand.u32 $0xFFFF, v61;
	v5 =	vand.u32 $0x7FFF0000, v17;
	[tilespmem:v3+s2+$0x0] =	vst.idx.add.s32.msk vm1, v1;
	vm0 =	veq.s32 v4, v2  }
0xbf: {  	v3 =	vand.u32 $0xFFFF, v16;
	vm1 =	veq.s32 v5, v2;
	[tilespmem:v6+s2+$0x0] =	vst.idx.add.s32.msk vm2, v1;
	v6 =	vand.u32 $0x7FFF0000, v18  }
0xc0: {  	[tilespmem:v10+s2+$0x0] =	vst.idx.add.s32.msk vm5, v1;
	v4 =	vand.u32 $0xFFFF, v17;
	vm2 =	veq.s32 v6, v2  }
0xc1: {  	v5 =	vand.u32 $0xFFFF, v18;
	[tilespmem:v7+s2+$0x0] =	vst.idx.add.s32.msk vm7, v1  }
0xc2: {  	[tilespmem:v62+s2+$0x0] =	vst.idx.add.s32.msk vm3, v1  }
0xc3: {  	[tilespmem:v63+s2+$0x0] =	vst.idx.add.s32.msk vm15, v1  }
.LBB2_7:
0xc4: {  	s21 =	sadd.s32 $0x10, s21;
	[tilespmem:v3+s2+$0x0] =	vst.idx.add.s32.msk vm0, v1;
	s20 =	sadd.s32 $0x800, s20  }
0xc5: {  	s22 =	sand.u32 $0x380, s21;
	s23 =	sand.u32 $0x3800, s20;
	p1 =	slt.u32 s21, $0x3F0;
	[tilespmem:v4+s2+$0x0] =	vst.idx.add.s32.msk vm1, v1  }
0xc6: {  	s22 =	sor.u32 s22, s23;
	[tilespmem:v5+s2+$0x0] =	vst.idx.add.s32.msk vm2, v1  }
0xc7: {  	v3 =	vld [tilespmem:s22+$0x14470]  }
0xc8: {  	v4 =	vld [tilespmem:s22+$0x14000]  }
0xc9: {  	v5 =	vld [tilespmem:s22+$0x14010]  }
0xca: {  	v6 =	vld [tilespmem:s22+$0x14020]  }
0xcb: {  	v7 =	vld [tilespmem:s22+$0x14030]  }
0xcc: {  	v8 =	vld [tilespmem:s22+$0x14040];
	v9 =	vand.u32 $0x7FFF0000, v3  }
0xcd: {  	v10 =	vand.u32 $0x7FFF0000, v4;
	v4 =	vand.u32 $0xFFFF, v4;
	v11 =	vld [tilespmem:s22+$0x14050];
	vm6 =	veq.s32 v9, v2  }
0xce: {  	v3 =	vand.u32 $0xFFFF, v3;
	vm0 =	veq.s32 v10, v2;
	v9 =	vand.u32 $0x7FFF0000, v5;
	v10 =	vld [tilespmem:s22+$0x14060]  }
0xcf: {  	v5 =	vand.u32 $0xFFFF, v5;
	vm1 =	veq.s32 v9, v2;
	v9 =	vand.u32 $0x7FFF0000, v6;
	v12 =	vld [tilespmem:s22+$0x14070]  }
0xd0: {  	v6 =	vand.u32 $0xFFFF, v6;
	vm2 =	veq.s32 v9, v2;
	v9 =	vand.u32 $0x7FFF0000, v7;
	v13 =	vld [tilespmem:s22+$0x14400]  }
0xd1: {  	v7 =	vand.u32 $0xFFFF, v7;
	vm3 =	veq.s32 v9, v2;
	v9 =	vand.u32 $0x7FFF0000, v8;
	v14 =	vld [tilespmem:s22+$0x14410]  }
0xd2: {  	v8 =	vand.u32 $0xFFFF, v8;
	vm4 =	veq.s32 v9, v2;
	v9 =	vand.u32 $0x7FFF0000, v11;
	v15 =	vld [tilespmem:s22+$0x14420]  }
0xd3: {  	vm5 =	veq.s32 v9, v2;
	v9 =	vand.u32 $0xFFFF, v11;
	v11 =	vand.u32 $0x7FFF0000, v10;
	[tilespmem:v3+s2+$0x0] =	vst.idx.add.s32.msk vm6, v1  }
0xd4: {  	v10 =	vand.u32 $0xFFFF, v10;
	vm6 =	veq.s32 v11, v2;
	v3 =	vand.u32 $0x7FFF0000, v12;
	v11 =	vld [tilespmem:s22+$0x14430]  }
0xd5: {  	v12 =	vand.u32 $0xFFFF, v12;
	vm7 =	veq.s32 v3, v2;
	v3 =	vand.u32 $0x7FFF0000, v13;
	v16 =	vld [tilespmem:s22+$0x14440]  }
0xd6: {  	v13 =	vand.u32 $0xFFFF, v13;
	vm8 =	veq.s32 v3, v2;
	v3 =	vand.u32 $0x7FFF0000, v14;
	v17 =	vld [tilespmem:s22+$0x14450]  }
0xd7: {  	v14 =	vand.u32 $0xFFFF, v14;
	vm9 =	veq.s32 v3, v2;
	v3 =	vand.u32 $0x7FFF0000, v15;
	v18 =	vld [tilespmem:s22+$0x14460]  }
0xd8: {  	v15 =	vand.u32 $0xFFFF, v15;
	[tilespmem:v4+s2+$0x0] =	vst.idx.add.s32.msk vm0, v1;
	vm10 =	veq.s32 v3, v2  }
0xd9: {  	[tilespmem:v5+s2+$0x0] =	vst.idx.add.s32.msk vm1, v1;
	v3 =	vand.u32 $0x7FFF0000, v11;
	v11 =	vand.u32 $0xFFFF, v11  }
0xda: {  	[tilespmem:v6+s2+$0x0] =	vst.idx.add.s32.msk vm2, v1;
	vm11 =	veq.s32 v3, v2;
	v4 =	vand.u32 $0x7FFF0000, v16;
	v3 =	vand.u32 $0xFFFF, v16  }
0xdb: {  	[tilespmem:v7+s2+$0x0] =	vst.idx.add.s32.msk vm3, v1;
	vm0 =	veq.s32 v4, v2;
	v5 =	vand.u32 $0x7FFF0000, v17;
	v4 =	vand.u32 $0xFFFF, v17  }
0xdc: {  	[tilespmem:v8+s2+$0x0] =	vst.idx.add.s32.msk vm4, v1;
	vm1 =	veq.s32 v5, v2;
	v6 =	vand.u32 $0x7FFF0000, v18;
	v5 =	vand.u32 $0xFFFF, v18  }
0xdd: {  	[tilespmem:v9+s2+$0x0] =	vst.idx.add.s32.msk vm5, v1;
	vm2 =	veq.s32 v6, v2  }
0xde: {  	[tilespmem:v10+s2+$0x0] =	vst.idx.add.s32.msk vm6, v1  }
.Ltmp4:
0xdf: {  	[tilespmem:v12+s2+$0x0] =	vst.idx.add.s32.msk vm7, v1;
	(pc) =	sbr.rel @p1 .LBB2_7-.Ltmp4, $4  }
0xe0: {  	[tilespmem:v13+s2+$0x0] =	vst.idx.add.s32.msk vm8, v1  }
0xe1: {  	[tilespmem:v14+s2+$0x0] =	vst.idx.add.s32.msk vm9, v1  }
0xe2: {  	[tilespmem:v15+s2+$0x0] =	vst.idx.add.s32.msk vm10, v1  }
0xe3: {  	[tilespmem:v11+s2+$0x0] =	vst.idx.add.s32.msk vm11, v1  }
0xe4: {  	_ =	sdelay $0x2  }
.Ltmp5:
0xe5: {  	_ = 	snop;
	(pc) =	sbr.rel @p0 .LBB2_10-.Ltmp5, $4  }
0xe6: {  	_ = 	snop  }
0xe7: {  	[tilespmem:v3+s2+$0x0] =	vst.idx.add.s32.msk vm0, v1  }
0xe8: {  	[tilespmem:v4+s2+$0x0] =	vst.idx.add.s32.msk vm1, v1  }
0xe9: {  	[tilespmem:v5+s2+$0x0] =	vst.idx.add.s32.msk vm2, v1  }
.Ltmp6:
0xea: {  	s19 =	sadd.s32 s19, s5;
	(pc) =	sbr.rel .LBB2_4-.Ltmp6, $4  }
0xeb: {  	s19 =	sshll.u32 s19, $0xB  }
0xec: {  	s19 =	sadd.s32 s9, s19  }
0xed: {  	s18 =	sadd.s32 $0x1, s18;
	s19 =	sadd.s32 $0x800, s19  }
0xee: {  	[tilespmem:s13], [sflag:$0x2] =	stream.linear.gather [hbm4b:s19+s2], $0x4000, $0x38;
	[tilespmem:$0x18080] =	vst v63  }
.LBB2_11:
0xef: {  	_ =	sfence.sel $0x180000  }
0xf0: {  	[bflag:$0x0] =	sbarrier.arrive $0xFFFF  }
0xf1: {  	p0 =	sne.s32 s1, $0x0;
	_ =	strace $0x9000004A  }
0xf2: {  	s0 =	sadd.s32 @!p0 $0x100000, s0;
	[bflag:$0x2] =	sbarrier.arrive $0xFFFF  }
0xf3: {  	[sflag:s0] =	ssyncadd.tile.s32 @!p0 $0x1;
	_ =	shalt  }
.Lfunc_end2:
_tile_overlayer_lowered:
.L_overlay_start_2:
0xf4: {  	(tag) =	ssettag $0x2  }
0xf5: {  	s0 =	rddreg [dreg:$0x0];
	s2 =	stileid.u32  }
0xf6: {  	s1 =	rddreg [dreg:$0x1];
	p0 =	sne.s32 s2, $0x0  }
0xf7: {  	s3 =	rddreg [dreg:$0x2];
	[bflag:$0x3] =	sbarrier.arrive $0xFFFF;
	s2 =	simm.s32 @!p0 $0x1C03  }
0xf8: {  	[timem:s3], [sflag:s2] =	dma.local @!p0 [hbm:s0], s1  }
0xf9: {  	s0 =	simm.s32 @!p0 $0x3  }
0xfa: {  	_ =	swait.ge @!p0 [sflag:s0], s1  }
0xfb: {  	s1 =	ssub.s32 @!p0 $0x0, s1;
	[sflag:s0] =	ssyncset.done @!p0 $0x0  }
0xfc: {  	[sflag:s0] =	ssyncadd.s32 @!p0 s1  }
0xfd: {  	[bflag:$0x3] =	sbarrier.arrive $0xFFFF  }
0xfe: {  	_ =	shalt  }

</sc_bundles>
